<compile_context>
chip_gen: v7x
topology: tpu7x:2x2x1
jax: 0.10.2.dev20260603
libtpu: 0.0.44.dev20260713+nightly
codegen_flags: <defaults>
</compile_context>

<pallas_src>
import functools

import jax
import jax.numpy as jnp
from jax import lax
from jax.experimental import pallas as pl
from jax.experimental.pallas import tpu as pltpu
from jax.experimental.pallas import tpu_sc as plsc

_K = 8192
_D = 32
_HALF = _K // 2
_BLK = 512

_NC = 2
_NS = 16
_NW = _NC * _NS


_NLANE = 128
_NCH = _K // _NLANE


def _argmin_body(x_ref, ct_ref, c2_ref, x2_ref, idx_ref):
    xb = x_ref[...]
    mm2 = lax.dot_general(xb + xb, ct_ref[...], (((1,), (0,)), ((), ())),
                          preferred_element_type=jnp.float32)
    x2 = x2_ref[...].reshape(_BLK, 1)
    c2 = c2_ref[...]
    lane = lax.broadcasted_iota(
        jnp.int32, (_BLK, _NLANE), 1).astype(jnp.float32)

    def half_fold(lo, hi):
        accv = accc = None
        for c in range(lo, hi):
            sl = slice(c * _NLANE, (c + 1) * _NLANE)
            d = (x2 + c2[:, sl]) - mm2[:, sl]
            if accv is None:
                accv = d
                accc = jnp.zeros((_BLK, _NLANE), jnp.float32)
            else:
                lt = d < accv
                accv = jnp.where(lt, d, accv)
                accc = jnp.where(lt, float(c - lo), accc)
        accj = accc * float(_NLANE) + lane
        m = jnp.min(accv, axis=1, keepdims=True)
        j = jnp.min(jnp.where(accv == m, accj, float(_HALF)), axis=1)
        return m[:, 0], j

    v1, j1 = half_fold(0, _NCH // 2)
    v2, j2 = half_fold(_NCH // 2, _NCH)
    acc = v1.astype(jnp.bfloat16).astype(jnp.float32)
    idx = jnp.where(v2 < acc, j2 + float(_HALF), j1).astype(jnp.int32)
    idx_ref[...] = idx.reshape(1, 1, _BLK)


def _argmin_call(x, ct, c2, x2, n):
    grid = n // _BLK
    return pl.pallas_call(
        _argmin_body,
        grid=(grid,),
        in_specs=[
            pl.BlockSpec((_BLK, _D), lambda i: (i, 0)),
            pl.BlockSpec((_D, _K), lambda i: (0, 0)),
            pl.BlockSpec((1, _K), lambda i: (0, 0)),
            pl.BlockSpec((1, _BLK), lambda i: (0, i)),
        ],
        out_specs=pl.BlockSpec((1, 1, _BLK), lambda i: (i, 0, 0)),
        out_shape=jax.ShapeDtypeStruct((grid, 1, _BLK), jnp.int32),
        compiler_params=pltpu.CompilerParams(
            dimension_semantics=("parallel",)),
    )(x, ct, c2, x2)


_DPAD = 128


def _gather_call(codebook_pad, idx_flat, n):
    b_per_w = n // _NW
    mesh = plsc.VectorSubcoreMesh(core_axis_name="c", subcore_axis_name="s")

    @functools.partial(
        pl.kernel, mesh=mesh,
        out_type=jax.ShapeDtypeStruct((n, _DPAD), jnp.float32),
        scratch_types=[
            pltpu.VMEM((b_per_w,), jnp.int32),
            pltpu.VMEM((b_per_w, _DPAD), jnp.float32),
            pltpu.SemaphoreType.DMA,
        ],
    )
    def gather_kernel(table_hbm, idx_hbm, out_hbm, idx_v, rows_v, sem):
        wid = lax.axis_index("s") * _NC + lax.axis_index("c")
        base = wid * b_per_w
        pltpu.sync_copy(idx_hbm.at[pl.ds(base, b_per_w)], idx_v)
        pltpu.async_copy(table_hbm.at[idx_v], rows_v, sem).wait()
        pltpu.sync_copy(rows_v, out_hbm.at[pl.ds(base, b_per_w)])

    return gather_kernel(codebook_pad, idx_flat)


_FBLK = 2048


def _finalize_body(x_ref, q_ref, o_ref, loss_ref):
    i = pl.program_id(0)
    xb = x_ref[...]
    qb = q_ref[:, :_D]
    dq = qb - xb
    o_ref[...] = xb + dq

    @pl.when(i == 0)
    def _():
        loss_ref[...] = jnp.zeros((1, 1), jnp.float32)

    loss_ref[...] += jnp.sum(dq * dq).reshape(1, 1)


def _finalize_call(x, q, n):
    grid = n // _FBLK
    return pl.pallas_call(
        _finalize_body,
        grid=(grid,),
        in_specs=[
            pl.BlockSpec((_FBLK, _D), lambda i: (i, 0)),
            pl.BlockSpec((_FBLK, _DPAD), lambda i: (i, 0)),
        ],
        out_specs=[
            pl.BlockSpec((_FBLK, _D), lambda i: (i, 0)),
            pl.BlockSpec((1, 1), lambda i: (0, 0)),
        ],
        out_shape=[
            jax.ShapeDtypeStruct((n, _D), jnp.float32),
            jax.ShapeDtypeStruct((1, 1), jnp.float32),
        ],
        compiler_params=pltpu.CompilerParams(
            dimension_semantics=("arbitrary",)),
    )(x, q)


def kernel(inputs, codebook):
    b, t, d = inputs.shape
    n = b * t
    x = inputs.reshape(n, d)
    c2 = jnp.sum(codebook ** 2, axis=1).reshape(1, _K)
    x2 = jnp.sum(x ** 2, axis=1).reshape(1, n)

    ct = codebook.T
    idx = _argmin_call(x, ct, c2, x2, n).reshape(n)
    codebook_pad = jnp.pad(codebook, ((0, 0), (0, _DPAD - _D)))
    q = _gather_call(codebook_pad, idx, n)
    out_q, loss_sum = _finalize_call(x, q, n)

    loss = (loss_sum[0, 0] * (1.25 / (n * d))).astype(jnp.float32)
    return (out_q.reshape(b, t, d), idx.reshape(b, t), loss)

# --- scband reference (transcript-rebuilt; emitter-appended) ---
"""Pipeline reference for scband-vector-quantizer-55748675502202 (READ-ONLY COPY).

The authoritative reference and input builder live on the scoring server;
editing this copy changes nothing except your own understanding.
"""

import jax, jax.numpy as jnp
import numpy as np

NUM_EMBEDDINGS = 8192
EMBEDDING_DIM = 32
COMMITMENT_COST = 0.25


def setup_inputs(seed: int = 0) -> dict:
    key = jax.random.key(seed)
    k1, k2 = jax.random.split(key)
    inputs = jax.random.normal(k1, (16, 1024, EMBEDDING_DIM), dtype=jnp.float32)
    # codebook initialized uniform(-1/K, 1/K) like the torch module
    codebook = jax.random.uniform(
        k2, (NUM_EMBEDDINGS, EMBEDDING_DIM), dtype=jnp.float32,
        minval=-1.0 / NUM_EMBEDDINGS, maxval=1.0 / NUM_EMBEDDINGS)
    return {"inputs": inputs, "codebook": codebook}


def reference(inputs, codebook):
    B, T, D = inputs.shape
    flat_input = inputs.reshape(-1, D)
    distances = (jnp.sum(flat_input ** 2, axis=1, keepdims=True)
                 + jnp.sum(codebook ** 2, axis=1)
                 - 2.0 * jnp.matmul(flat_input, codebook.T))
    encoding_indices = jnp.argmin(distances, axis=1)
    encoding_indices = encoding_indices.reshape(B, T)
    encodings = jax.nn.one_hot(encoding_indices, NUM_EMBEDDINGS, dtype=jnp.float32)
    quantized = jnp.matmul(encodings, codebook)
    quantized = quantized.reshape(inputs.shape)
    e_latent_loss = jnp.mean((jax.lax.stop_gradient(quantized) - inputs) ** 2)
    q_latent_loss = jnp.mean((quantized - jax.lax.stop_gradient(inputs)) ** 2)
    loss = q_latent_loss + COMMITMENT_COST * e_latent_loss
    quantized = inputs + jax.lax.stop_gradient(quantized - inputs)
    return (quantized, encoding_indices, loss)

if __name__ == "__main__":
    import jax
    _d = setup_inputs()
    print(jax.jit(kernel)(*tuple(_d.values())))

</pallas_src>

<mosaic_0001>
#map = affine_map<(d0, d1) -> (0, 0)>
#map1 = affine_map<(d0, d1) -> (0)>
module attributes {stable_mosaic.version = 14 : i64} {
  func.func @gather_kernel(%arg0: i32, %arg1: i32, %arg2: memref<8192x128xf32, #tpu.memory_space<hbm>>, %arg3: memref<16384xi32, #tpu.memory_space<hbm>>, %arg4: memref<16384x128xf32, #tpu.memory_space<hbm>>, %arg5: memref<512xi32, #tpu.memory_space<vmem>>, %arg6: memref<512x128xf32, #tpu.memory_space<vmem>>, %arg7: memref<!tpu.dma_semaphore, #tpu.memory_space<semaphore_mem>>) attributes {dimension_semantics = [#tpu.dimension_semantics<core_parallel>, #tpu.dimension_semantics<subcore_parallel>], iteration_bounds = array<i64: 2, 16>, scalar_prefetch = 0 : i64, scratch_operands = 3 : i64, tpu.core_type = #tpu.core_type<sc_vector_subcore>, window_params = [{transform_indices = #map}, {transform_indices = #map1}, {transform_indices = #map}]} {
    %mul3A = arith.constant 2 : i32
    %mul3A_0 = arith.muli %arg1, %mul3A : i32
    %add3A = arith.addi %mul3A_0, %arg0 : i32
    %mul3A_1 = arith.constant 512 : i32
    %mul3A_2 = arith.muli %add3A, %mul3A_1 : i32
    "tpu.region"() ({
      %run_scoped3A = tpu.sem_alloc : memref<!tpu.dma_semaphore, #tpu.memory_space<semaphore_mem>>
      %dma_start3A_7 = tpu.memref_slice %arg3[%mul3A_2] : memref<16384xi32, #tpu.memory_space<hbm>> -> memref<512xi32, #tpu.memory_space<hbm>>
      %dma_start3A_8 = tpu.memref_slice %arg3[%mul3A_2] : memref<16384xi32, #tpu.memory_space<hbm>> -> memref<512xi32, #tpu.memory_space<hbm>>
      tpu.enqueue_dma source(%dma_start3A_8 : memref<512xi32, #tpu.memory_space<hbm>>) target(%arg5 : memref<512xi32, #tpu.memory_space<vmem>>) target_semaphore(%run_scoped3A : memref<!tpu.dma_semaphore, #tpu.memory_space<semaphore_mem>>)
      %dma_wait3A_9 = tpu.memref_slice %arg3[%mul3A_2] : memref<16384xi32, #tpu.memory_space<hbm>> -> memref<512xi32, #tpu.memory_space<hbm>>
      %dma_wait3A_10 = tpu.memref_slice %arg3[%mul3A_2] : memref<16384xi32, #tpu.memory_space<hbm>> -> memref<512xi32, #tpu.memory_space<hbm>>
      tpu.wait_dma2 semaphore(%run_scoped3A : memref<!tpu.dma_semaphore, #tpu.memory_space<semaphore_mem>>) src(%dma_wait3A_10 : memref<512xi32, #tpu.memory_space<hbm>>) dst(%arg5 : memref<512xi32, #tpu.memory_space<vmem>>)
      tpu.yield
    }) : () -> ()
    %dma_start3A = arith.constant 0 : i32
    %dma_start3A_3 = arith.constant 0 : i32
    %dma_start3A_4 = tpu.memref_slice %arg2[%dma_start3A, %dma_start3A_3] : memref<8192x128xf32, #tpu.memory_space<hbm>> -> memref<8192x128xf32, #tpu.memory_space<hbm>>
    tpu.enqueue_indirect_dma source(%dma_start3A_4 : memref<8192x128xf32, #tpu.memory_space<hbm>>) target(%arg6 : memref<512x128xf32, #tpu.memory_space<vmem>>) offsets(%arg5 : memref<512xi32, #tpu.memory_space<vmem>>) semaphore(%arg7 : memref<!tpu.dma_semaphore, #tpu.memory_space<semaphore_mem>>)
    %dma_wait3A = arith.constant 0 : i32
    %dma_wait3A_5 = arith.constant 0 : i32
    %dma_wait3A_6 = tpu.memref_slice %arg2[%dma_wait3A, %dma_wait3A_5] : memref<8192x128xf32, #tpu.memory_space<hbm>> -> memref<8192x128xf32, #tpu.memory_space<hbm>>
    tpu.wait_indirect_dma semaphore(%arg7 : memref<!tpu.dma_semaphore, #tpu.memory_space<semaphore_mem>>) src(%dma_wait3A_6 : memref<8192x128xf32, #tpu.memory_space<hbm>>) dst(%arg6 : memref<512x128xf32, #tpu.memory_space<vmem>>)
    "tpu.region"() ({
      %run_scoped3A = tpu.sem_alloc : memref<!tpu.dma_semaphore, #tpu.memory_space<semaphore_mem>>
      %dma_start3A_7 = arith.constant 0 : i32
      %dma_start3A_8 = tpu.memref_slice %arg4[%mul3A_2, %dma_start3A_7] : memref<16384x128xf32, #tpu.memory_space<hbm>> -> memref<512x128xf32, #tpu.memory_space<hbm>>
      %dma_start3A_9 = arith.constant 0 : i32
      %dma_start3A_10 = tpu.memref_slice %arg4[%mul3A_2, %dma_start3A_9] : memref<16384x128xf32, #tpu.memory_space<hbm>> -> memref<512x128xf32, #tpu.memory_space<hbm>>
      tpu.enqueue_dma source(%arg6 : memref<512x128xf32, #tpu.memory_space<vmem>>) target(%dma_start3A_10 : memref<512x128xf32, #tpu.memory_space<hbm>>) target_semaphore(%run_scoped3A : memref<!tpu.dma_semaphore, #tpu.memory_space<semaphore_mem>>)
      %dma_wait3A_11 = arith.constant 0 : i32
      %dma_wait3A_12 = tpu.memref_slice %arg4[%mul3A_2, %dma_wait3A_11] : memref<16384x128xf32, #tpu.memory_space<hbm>> -> memref<512x128xf32, #tpu.memory_space<hbm>>
      %dma_wait3A_13 = arith.constant 0 : i32
      %dma_wait3A_14 = tpu.memref_slice %arg4[%mul3A_2, %dma_wait3A_13] : memref<16384x128xf32, #tpu.memory_space<hbm>> -> memref<512x128xf32, #tpu.memory_space<hbm>>
      tpu.wait_dma2 semaphore(%run_scoped3A : memref<!tpu.dma_semaphore, #tpu.memory_space<semaphore_mem>>) src(%arg6 : memref<512x128xf32, #tpu.memory_space<vmem>>) dst(%dma_wait3A_14 : memref<512x128xf32, #tpu.memory_space<hbm>>)
      tpu.yield
    }) : () -> ()
    return
  }
}

module attributes {stable_mosaic.version = 14 : i64} {
  func.func @_argmin_body(%arg0: i32, %arg1: memref<512x32xf32, #tpu.memory_space<vmem>>, %arg2: memref<32x8192xf32, #tpu.memory_space<vmem>>, %arg3: memref<1x8192xf32, #tpu.memory_space<vmem>>, %arg4: memref<1x512xf32, #tpu.memory_space<vmem>>, %arg5: memref<1x1x512xi32, #tpu.memory_space<vmem>>) attributes {dimension_semantics = [#tpu.dimension_semantics<parallel>], iteration_bounds = array<i64: 32>, scalar_prefetch = 0 : i64, scratch_operands = 0 : i64, tpu.core_type = #tpu.core_type<tc>, window_params = [{transform_indices = @transform_0, window_bounds = array<i64: 512, 32>}, {pipeline_mode = #tpu.pipeline_mode<synchronous>, transform_indices = @transform_1, window_bounds = array<i64: 32, 8192>}, {pipeline_mode = #tpu.pipeline_mode<synchronous>, transform_indices = @transform_2, window_bounds = array<i64: 1, 8192>}, {transform_indices = @transform_3, window_bounds = array<i64: 1, 512>}, {transform_indices = @transform_4, window_bounds = array<i64: 1, 1, 512>}]} {
    %get3A = arith.constant 0 : index
    %get3A_0 = arith.constant 0 : index
    %get3A_1 = vector.load %arg1[%get3A, %get3A_0] : memref<512x32xf32, #tpu.memory_space<vmem>>, vector<512x32xf32>
    %add3A = arith.addf %get3A_1, %get3A_1 : vector<512x32xf32>
    %get3A_2 = arith.constant 0 : index
    %get3A_3 = arith.constant 0 : index
    %get3A_4 = vector.load %arg2[%get3A_2, %get3A_3] : memref<32x8192xf32, #tpu.memory_space<vmem>>, vector<32x8192xf32>
    %dot_general3A = arith.constant dense<0.000000e+00> : vector<512x8192xf32>
    %dot_general3A_5 = tpu.matmul %add3A, %get3A_4, %dot_general3A {dimension_numbers = #tpu.dot_dimension_numbers<[1], [0], [0], [1], [0, 0, 1, 1], [], []>, transpose_lhs_hint = false} : vector<512x32xf32>, vector<32x8192xf32>, vector<512x8192xf32> -> vector<512x8192xf32>
    %get3A_6 = arith.constant 0 : index
    %get3A_7 = arith.constant 0 : index
    %get3A_8 = vector.load %arg4[%get3A_6, %get3A_7] : memref<1x512xf32, #tpu.memory_space<vmem>>, vector<1x512xf32>
    %reshape3A = vector.shape_cast %get3A_8 : vector<1x512xf32> to vector<512x1xf32>
    %get3A_9 = arith.constant 0 : index
    %get3A_10 = arith.constant 0 : index
    %get3A_11 = vector.load %arg3[%get3A_9, %get3A_10] : memref<1x8192xf32, #tpu.memory_space<vmem>>, vector<1x8192xf32>
    %iota3A = tpu.iota {dimensions = array<i32: 1>} : vector<512x128xi32>
    %convert_element_type3A = arith.sitofp %iota3A : vector<512x128xi32> to vector<512x128xf32>
    %slice3A = vector.extract_strided_slice %get3A_11 {offsets = [0, 0], sizes = [1, 128], strides = [1, 1]} : vector<1x8192xf32> to vector<1x128xf32>
    %add3A_12 = vector.broadcast %reshape3A : vector<512x1xf32> to vector<512x128xf32>
    %add3A_13 = vector.broadcast %slice3A : vector<1x128xf32> to vector<512x128xf32>
    %add3A_14 = arith.addf %add3A_12, %add3A_13 : vector<512x128xf32>
    %slice3A_15 = vector.extract_strided_slice %dot_general3A_5 {offsets = [0, 0], sizes = [512, 128], strides = [1, 1]} : vector<512x8192xf32> to vector<512x128xf32>
    %sub3A = arith.subf %add3A_14, %slice3A_15 : vector<512x128xf32>
    %broadcast_in_dim3A = arith.constant 0.000000e+00 : f32
    %broadcast_in_dim3A_16 = vector.broadcast %broadcast_in_dim3A : f32 to vector<512x128xf32>
    %slice3A_17 = vector.extract_strided_slice %get3A_11 {offsets = [0, 128], sizes = [1, 128], strides = [1, 1]} : vector<1x8192xf32> to vector<1x128xf32>
    %add3A_18 = vector.broadcast %reshape3A : vector<512x1xf32> to vector<512x128xf32>
    %add3A_19 = vector.broadcast %slice3A_17 : vector<1x128xf32> to vector<512x128xf32>
    %add3A_20 = arith.addf %add3A_18, %add3A_19 : vector<512x128xf32>
    %slice3A_21 = vector.extract_strided_slice %dot_general3A_5 {offsets = [0, 128], sizes = [512, 128], strides = [1, 1]} : vector<512x8192xf32> to vector<512x128xf32>
    %sub3A_22 = arith.subf %add3A_20, %slice3A_21 : vector<512x128xf32>
    %lt3A = arith.cmpf olt, %sub3A_22, %sub3A : vector<512x128xf32>
    %select_n3A = arith.select %lt3A, %sub3A_22, %sub3A : vector<512x128xi1>, vector<512x128xf32>
    %jit3A = arith.constant 1.000000e+00 : f32
    %broadcast_in_dim3A_23 = vector.broadcast %jit3A : f32 to vector<512x128xf32>
    %select_n3A_24 = arith.select %lt3A, %broadcast_in_dim3A_23, %broadcast_in_dim3A_16 : vector<512x128xi1>, vector<512x128xf32>
    %slice3A_25 = vector.extract_strided_slice %get3A_11 {offsets = [0, 256], sizes = [1, 128], strides = [1, 1]} : vector<1x8192xf32> to vector<1x128xf32>
    %add3A_26 = vector.broadcast %reshape3A : vector<512x1xf32> to vector<512x128xf32>
    %add3A_27 = vector.broadcast %slice3A_25 : vector<1x128xf32> to vector<512x128xf32>
    %add3A_28 = arith.addf %add3A_26, %add3A_27 : vector<512x128xf32>
    %slice3A_29 = vector.extract_strided_slice %dot_general3A_5 {offsets = [0, 256], sizes = [512, 128], strides = [1, 1]} : vector<512x8192xf32> to vector<512x128xf32>
    %sub3A_30 = arith.subf %add3A_28, %slice3A_29 : vector<512x128xf32>
    %lt3A_31 = arith.cmpf olt, %sub3A_30, %select_n3A : vector<512x128xf32>
    %select_n3A_32 = arith.select %lt3A_31, %sub3A_30, %select_n3A : vector<512x128xi1>, vector<512x128xf32>
    %jit3A_33 = arith.constant 2.000000e+00 : f32
    %broadcast_in_dim3A_34 = vector.broadcast %jit3A_33 : f32 to vector<512x128xf32>
    %select_n3A_35 = arith.select %lt3A_31, %broadcast_in_dim3A_34, %select_n3A_24 : vector<512x128xi1>, vector<512x128xf32>
    %slice3A_36 = vector.extract_strided_slice %get3A_11 {offsets = [0, 384], sizes = [1, 128], strides = [1, 1]} : vector<1x8192xf32> to vector<1x128xf32>
    %add3A_37 = vector.broadcast %reshape3A : vector<512x1xf32> to vector<512x128xf32>
    %add3A_38 = vector.broadcast %slice3A_36 : vector<1x128xf32> to vector<512x128xf32>
    %add3A_39 = arith.addf %add3A_37, %add3A_38 : vector<512x128xf32>
    %slice3A_40 = vector.extract_strided_slice %dot_general3A_5 {offsets = [0, 384], sizes = [512, 128], strides = [1, 1]} : vector<512x8192xf32> to vector<512x128xf32>
    %sub3A_41 = arith.subf %add3A_39, %slice3A_40 : vector<512x128xf32>
    %lt3A_42 = arith.cmpf olt, %sub3A_41, %select_n3A_32 : vector<512x128xf32>
    %select_n3A_43 = arith.select %lt3A_42, %sub3A_41, %select_n3A_32 : vector<512x128xi1>, vector<512x128xf32>
    %jit3A_44 = arith.constant 3.000000e+00 : f32
    %broadcast_in_dim3A_45 = vector.broadcast %jit3A_44 : f32 to vector<512x128xf32>
    %select_n3A_46 = arith.select %lt3A_42, %broadcast_in_dim3A_45, %select_n3A_35 : vector<512x128xi1>, vector<512x128xf32>
    %slice3A_47 = vector.extract_strided_slice %get3A_11 {offsets = [0, 512], sizes = [1, 128], strides = [1, 1]} : vector<1x8192xf32> to vector<1x128xf32>
    %add3A_48 = vector.broadcast %reshape3A : vector<512x1xf32> to vector<512x128xf32>
    %add3A_49 = vector.broadcast %slice3A_47 : vector<1x128xf32> to vector<512x128xf32>
    %add3A_50 = arith.addf %add3A_48, %add3A_49 : vector<512x128xf32>
    %slice3A_51 = vector.extract_strided_slice %dot_general3A_5 {offsets = [0, 512], sizes = [512, 128], strides = [1, 1]} : vector<512x8192xf32> to vector<512x128xf32>
    %sub3A_52 = arith.subf %add3A_50, %slice3A_51 : vector<512x128xf32>
    %lt3A_53 = arith.cmpf olt, %sub3A_52, %select_n3A_43 : vector<512x128xf32>
    %select_n3A_54 = arith.select %lt3A_53, %sub3A_52, %select_n3A_43 : vector<512x128xi1>, vector<512x128xf32>
    %jit3A_55 = arith.constant 4.000000e+00 : f32
    %broadcast_in_dim3A_56 = vector.broadcast %jit3A_55 : f32 to vector<512x128xf32>
    %select_n3A_57 = arith.select %lt3A_53, %broadcast_in_dim3A_56, %select_n3A_46 : vector<512x128xi1>, vector<512x128xf32>
    %slice3A_58 = vector.extract_strided_slice %get3A_11 {offsets = [0, 640], sizes = [1, 128], strides = [1, 1]} : vector<1x8192xf32> to vector<1x128xf32>
    %add3A_59 = vector.broadcast %reshape3A : vector<512x1xf32> to vector<512x128xf32>
    %add3A_60 = vector.broadcast %slice3A_58 : vector<1x128xf32> to vector<512x128xf32>
    %add3A_61 = arith.addf %add3A_59, %add3A_60 : vector<512x128xf32>
    %slice3A_62 = vector.extract_strided_slice %dot_general3A_5 {offsets = [0, 640], sizes = [512, 128], strides = [1, 1]} : vector<512x8192xf32> to vector<512x128xf32>
    %sub3A_63 = arith.subf %add3A_61, %slice3A_62 : vector<512x128xf32>
    %lt3A_64 = arith.cmpf olt, %sub3A_63, %select_n3A_54 : vector<512x128xf32>
    %select_n3A_65 = arith.select %lt3A_64, %sub3A_63, %select_n3A_54 : vector<512x128xi1>, vector<512x128xf32>
    %jit3A_66 = arith.constant 5.000000e+00 : f32
    %broadcast_in_dim3A_67 = vector.broadcast %jit3A_66 : f32 to vector<512x128xf32>
    %select_n3A_68 = arith.select %lt3A_64, %broadcast_in_dim3A_67, %select_n3A_57 : vector<512x128xi1>, vector<512x128xf32>
    %slice3A_69 = vector.extract_strided_slice %get3A_11 {offsets = [0, 768], sizes = [1, 128], strides = [1, 1]} : vector<1x8192xf32> to vector<1x128xf32>
    %add3A_70 = vector.broadcast %reshape3A : vector<512x1xf32> to vector<512x128xf32>
    %add3A_71 = vector.broadcast %slice3A_69 : vector<1x128xf32> to vector<512x128xf32>
    %add3A_72 = arith.addf %add3A_70, %add3A_71 : vector<512x128xf32>
    %slice3A_73 = vector.extract_strided_slice %dot_general3A_5 {offsets = [0, 768], sizes = [512, 128], strides = [1, 1]} : vector<512x8192xf32> to vector<512x128xf32>
    %sub3A_74 = arith.subf %add3A_72, %slice3A_73 : vector<512x128xf32>
    %lt3A_75 = arith.cmpf olt, %sub3A_74, %select_n3A_65 : vector<512x128xf32>
    %select_n3A_76 = arith.select %lt3A_75, %sub3A_74, %select_n3A_65 : vector<512x128xi1>, vector<512x128xf32>
    %jit3A_77 = arith.constant 6.000000e+00 : f32
    %broadcast_in_dim3A_78 = vector.broadcast %jit3A_77 : f32 to vector<512x128xf32>
    %select_n3A_79 = arith.select %lt3A_75, %broadcast_in_dim3A_78, %select_n3A_68 : vector<512x128xi1>, vector<512x128xf32>
    %slice3A_80 = vector.extract_strided_slice %get3A_11 {offsets = [0, 896], sizes = [1, 128], strides = [1, 1]} : vector<1x8192xf32> to vector<1x128xf32>
    %add3A_81 = vector.broadcast %reshape3A : vector<512x1xf32> to vector<512x128xf32>
    %add3A_82 = vector.broadcast %slice3A_80 : vector<1x128xf32> to vector<512x128xf32>
    %add3A_83 = arith.addf %add3A_81, %add3A_82 : vector<512x128xf32>
    %slice3A_84 = vector.extract_strided_slice %dot_general3A_5 {offsets = [0, 896], sizes = [512, 128], strides = [1, 1]} : vector<512x8192xf32> to vector<512x128xf32>
    %sub3A_85 = arith.subf %add3A_83, %slice3A_84 : vector<512x128xf32>
    %lt3A_86 = arith.cmpf olt, %sub3A_85, %select_n3A_76 : vector<512x128xf32>
    %select_n3A_87 = arith.select %lt3A_86, %sub3A_85, %select_n3A_76 : vector<512x128xi1>, vector<512x128xf32>
    %jit3A_88 = arith.constant 7.000000e+00 : f32
    %broadcast_in_dim3A_89 = vector.broadcast %jit3A_88 : f32 to vector<512x128xf32>
    %select_n3A_90 = arith.select %lt3A_86, %broadcast_in_dim3A_89, %select_n3A_79 : vector<512x128xi1>, vector<512x128xf32>
    %slice3A_91 = vector.extract_strided_slice %get3A_11 {offsets = [0, 1024], sizes = [1, 128], strides = [1, 1]} : vector<1x8192xf32> to vector<1x128xf32>
    %add3A_92 = vector.broadcast %reshape3A : vector<512x1xf32> to vector<512x128xf32>
    %add3A_93 = vector.broadcast %slice3A_91 : vector<1x128xf32> to vector<512x128xf32>
    %add3A_94 = arith.addf %add3A_92, %add3A_93 : vector<512x128xf32>
    %slice3A_95 = vector.extract_strided_slice %dot_general3A_5 {offsets = [0, 1024], sizes = [512, 128], strides = [1, 1]} : vector<512x8192xf32> to vector<512x128xf32>
    %sub3A_96 = arith.subf %add3A_94, %slice3A_95 : vector<512x128xf32>
    %lt3A_97 = arith.cmpf olt, %sub3A_96, %select_n3A_87 : vector<512x128xf32>
    %select_n3A_98 = arith.select %lt3A_97, %sub3A_96, %select_n3A_87 : vector<512x128xi1>, vector<512x128xf32>
    %jit3A_99 = arith.constant 8.000000e+00 : f32
    %broadcast_in_dim3A_100 = vector.broadcast %jit3A_99 : f32 to vector<512x128xf32>
    %select_n3A_101 = arith.select %lt3A_97, %broadcast_in_dim3A_100, %select_n3A_90 : vector<512x128xi1>, vector<512x128xf32>
    %slice3A_102 = vector.extract_strided_slice %get3A_11 {offsets = [0, 1152], sizes = [1, 128], strides = [1, 1]} : vector<1x8192xf32> to vector<1x128xf32>
    %add3A_103 = vector.broadcast %reshape3A : vector<512x1xf32> to vector<512x128xf32>
    %add3A_104 = vector.broadcast %slice3A_102 : vector<1x128xf32> to vector<512x128xf32>
    %add3A_105 = arith.addf %add3A_103, %add3A_104 : vector<512x128xf32>
    %slice3A_106 = vector.extract_strided_slice %dot_general3A_5 {offsets = [0, 1152], sizes = [512, 128], strides = [1, 1]} : vector<512x8192xf32> to vector<512x128xf32>
    %sub3A_107 = arith.subf %add3A_105, %slice3A_106 : vector<512x128xf32>
    %lt3A_108 = arith.cmpf olt, %sub3A_107, %select_n3A_98 : vector<512x128xf32>
    %select_n3A_109 = arith.select %lt3A_108, %sub3A_107, %select_n3A_98 : vector<512x128xi1>, vector<512x128xf32>
    %jit3A_110 = arith.constant 9.000000e+00 : f32
    %broadcast_in_dim3A_111 = vector.broadcast %jit3A_110 : f32 to vector<512x128xf32>
    %select_n3A_112 = arith.select %lt3A_108, %broadcast_in_dim3A_111, %select_n3A_101 : vector<512x128xi1>, vector<512x128xf32>
    %slice3A_113 = vector.extract_strided_slice %get3A_11 {offsets = [0, 1280], sizes = [1, 128], strides = [1, 1]} : vector<1x8192xf32> to vector<1x128xf32>
    %add3A_114 = vector.broadcast %reshape3A : vector<512x1xf32> to vector<512x128xf32>
    %add3A_115 = vector.broadcast %slice3A_113 : vector<1x128xf32> to vector<512x128xf32>
    %add3A_116 = arith.addf %add3A_114, %add3A_115 : vector<512x128xf32>
    %slice3A_117 = vector.extract_strided_slice %dot_general3A_5 {offsets = [0, 1280], sizes = [512, 128], strides = [1, 1]} : vector<512x8192xf32> to vector<512x128xf32>
    %sub3A_118 = arith.subf %add3A_116, %slice3A_117 : vector<512x128xf32>
    %lt3A_119 = arith.cmpf olt, %sub3A_118, %select_n3A_109 : vector<512x128xf32>
    %select_n3A_120 = arith.select %lt3A_119, %sub3A_118, %select_n3A_109 : vector<512x128xi1>, vector<512x128xf32>
    %jit3A_121 = arith.constant 1.000000e+01 : f32
    %broadcast_in_dim3A_122 = vector.broadcast %jit3A_121 : f32 to vector<512x128xf32>
    %select_n3A_123 = arith.select %lt3A_119, %broadcast_in_dim3A_122, %select_n3A_112 : vector<512x128xi1>, vector<512x128xf32>
    %slice3A_124 = vector.extract_strided_slice %get3A_11 {offsets = [0, 1408], sizes = [1, 128], strides = [1, 1]} : vector<1x8192xf32> to vector<1x128xf32>
    %add3A_125 = vector.broadcast %reshape3A : vector<512x1xf32> to vector<512x128xf32>
    %add3A_126 = vector.broadcast %slice3A_124 : vector<1x128xf32> to vector<512x128xf32>
    %add3A_127 = arith.addf %add3A_125, %add3A_126 : vector<512x128xf32>
    %slice3A_128 = vector.extract_strided_slice %dot_general3A_5 {offsets = [0, 1408], sizes = [512, 128], strides = [1, 1]} : vector<512x8192xf32> to vector<512x128xf32>
    %sub3A_129 = arith.subf %add3A_127, %slice3A_128 : vector<512x128xf32>
    %lt3A_130 = arith.cmpf olt, %sub3A_129, %select_n3A_120 : vector<512x128xf32>
    %select_n3A_131 = arith.select %lt3A_130, %sub3A_129, %select_n3A_120 : vector<512x128xi1>, vector<512x128xf32>
    %jit3A_132 = arith.constant 1.100000e+01 : f32
    %broadcast_in_dim3A_133 = vector.broadcast %jit3A_132 : f32 to vector<512x128xf32>
    %select_n3A_134 = arith.select %lt3A_130, %broadcast_in_dim3A_133, %select_n3A_123 : vector<512x128xi1>, vector<512x128xf32>
    %slice3A_135 = vector.extract_strided_slice %get3A_11 {offsets = [0, 1536], sizes = [1, 128], strides = [1, 1]} : vector<1x8192xf32> to vector<1x128xf32>
    %add3A_136 = vector.broadcast %reshape3A : vector<512x1xf32> to vector<512x128xf32>
    %add3A_137 = vector.broadcast %slice3A_135 : vector<1x128xf32> to vector<512x128xf32>
    %add3A_138 = arith.addf %add3A_136, %add3A_137 : vector<512x128xf32>
    %slice3A_139 = vector.extract_strided_slice %dot_general3A_5 {offsets = [0, 1536], sizes = [512, 128], strides = [1, 1]} : vector<512x8192xf32> to vector<512x128xf32>
    %sub3A_140 = arith.subf %add3A_138, %slice3A_139 : vector<512x128xf32>
    %lt3A_141 = arith.cmpf olt, %sub3A_140, %select_n3A_131 : vector<512x128xf32>
    %select_n3A_142 = arith.select %lt3A_141, %sub3A_140, %select_n3A_131 : vector<512x128xi1>, vector<512x128xf32>
    %jit3A_143 = arith.constant 1.200000e+01 : f32
    %broadcast_in_dim3A_144 = vector.broadcast %jit3A_143 : f32 to vector<512x128xf32>
    %select_n3A_145 = arith.select %lt3A_141, %broadcast_in_dim3A_144, %select_n3A_134 : vector<512x128xi1>, vector<512x128xf32>
    %slice3A_146 = vector.extract_strided_slice %get3A_11 {offsets = [0, 1664], sizes = [1, 128], strides = [1, 1]} : vector<1x8192xf32> to vector<1x128xf32>
    %add3A_147 = vector.broadcast %reshape3A : vector<512x1xf32> to vector<512x128xf32>
    %add3A_148 = vector.broadcast %slice3A_146 : vector<1x128xf32> to vector<512x128xf32>
    %add3A_149 = arith.addf %add3A_147, %add3A_148 : vector<512x128xf32>
    %slice3A_150 = vector.extract_strided_slice %dot_general3A_5 {offsets = [0, 1664], sizes = [512, 128], strides = [1, 1]} : vector<512x8192xf32> to vector<512x128xf32>
    %sub3A_151 = arith.subf %add3A_149, %slice3A_150 : vector<512x128xf32>
    %lt3A_152 = arith.cmpf olt, %sub3A_151, %select_n3A_142 : vector<512x128xf32>
    %select_n3A_153 = arith.select %lt3A_152, %sub3A_151, %select_n3A_142 : vector<512x128xi1>, vector<512x128xf32>
    %jit3A_154 = arith.constant 1.300000e+01 : f32
    %broadcast_in_dim3A_155 = vector.broadcast %jit3A_154 : f32 to vector<512x128xf32>
    %select_n3A_156 = arith.select %lt3A_152, %broadcast_in_dim3A_155, %select_n3A_145 : vector<512x128xi1>, vector<512x128xf32>
    %slice3A_157 = vector.extract_strided_slice %get3A_11 {offsets = [0, 1792], sizes = [1, 128], strides = [1, 1]} : vector<1x8192xf32> to vector<1x128xf32>
    %add3A_158 = vector.broadcast %reshape3A : vector<512x1xf32> to vector<512x128xf32>
    %add3A_159 = vector.broadcast %slice3A_157 : vector<1x128xf32> to vector<512x128xf32>
    %add3A_160 = arith.addf %add3A_158, %add3A_159 : vector<512x128xf32>
    %slice3A_161 = vector.extract_strided_slice %dot_general3A_5 {offsets = [0, 1792], sizes = [512, 128], strides = [1, 1]} : vector<512x8192xf32> to vector<512x128xf32>
    %sub3A_162 = arith.subf %add3A_160, %slice3A_161 : vector<512x128xf32>
    %lt3A_163 = arith.cmpf olt, %sub3A_162, %select_n3A_153 : vector<512x128xf32>
    %select_n3A_164 = arith.select %lt3A_163, %sub3A_162, %select_n3A_153 : vector<512x128xi1>, vector<512x128xf32>
    %jit3A_165 = arith.constant 1.400000e+01 : f32
    %broadcast_in_dim3A_166 = vector.broadcast %jit3A_165 : f32 to vector<512x128xf32>
    %select_n3A_167 = arith.select %lt3A_163, %broadcast_in_dim3A_166, %select_n3A_156 : vector<512x128xi1>, vector<512x128xf32>
    %slice3A_168 = vector.extract_strided_slice %get3A_11 {offsets = [0, 1920], sizes = [1, 128], strides = [1, 1]} : vector<1x8192xf32> to vector<1x128xf32>
    %add3A_169 = vector.broadcast %reshape3A : vector<512x1xf32> to vector<512x128xf32>
    %add3A_170 = vector.broadcast %slice3A_168 : vector<1x128xf32> to vector<512x128xf32>
    %add3A_171 = arith.addf %add3A_169, %add3A_170 : vector<512x128xf32>
    %slice3A_172 = vector.extract_strided_slice %dot_general3A_5 {offsets = [0, 1920], sizes = [512, 128], strides = [1, 1]} : vector<512x8192xf32> to vector<512x128xf32>
    %sub3A_173 = arith.subf %add3A_171, %slice3A_172 : vector<512x128xf32>
    %lt3A_174 = arith.cmpf olt, %sub3A_173, %select_n3A_164 : vector<512x128xf32>
    %select_n3A_175 = arith.select %lt3A_174, %sub3A_173, %select_n3A_164 : vector<512x128xi1>, vector<512x128xf32>
    %jit3A_176 = arith.constant 1.500000e+01 : f32
    %broadcast_in_dim3A_177 = vector.broadcast %jit3A_176 : f32 to vector<512x128xf32>
    %select_n3A_178 = arith.select %lt3A_174, %broadcast_in_dim3A_177, %select_n3A_167 : vector<512x128xi1>, vector<512x128xf32>
    %slice3A_179 = vector.extract_strided_slice %get3A_11 {offsets = [0, 2048], sizes = [1, 128], strides = [1, 1]} : vector<1x8192xf32> to vector<1x128xf32>
    %add3A_180 = vector.broadcast %reshape3A : vector<512x1xf32> to vector<512x128xf32>
    %add3A_181 = vector.broadcast %slice3A_179 : vector<1x128xf32> to vector<512x128xf32>
    %add3A_182 = arith.addf %add3A_180, %add3A_181 : vector<512x128xf32>
    %slice3A_183 = vector.extract_strided_slice %dot_general3A_5 {offsets = [0, 2048], sizes = [512, 128], strides = [1, 1]} : vector<512x8192xf32> to vector<512x128xf32>
    %sub3A_184 = arith.subf %add3A_182, %slice3A_183 : vector<512x128xf32>
    %lt3A_185 = arith.cmpf olt, %sub3A_184, %select_n3A_175 : vector<512x128xf32>
    %select_n3A_186 = arith.select %lt3A_185, %sub3A_184, %select_n3A_175 : vector<512x128xi1>, vector<512x128xf32>
    %jit3A_187 = arith.constant 1.600000e+01 : f32
    %broadcast_in_dim3A_188 = vector.broadcast %jit3A_187 : f32 to vector<512x128xf32>
    %select_n3A_189 = arith.select %lt3A_185, %broadcast_in_dim3A_188, %select_n3A_178 : vector<512x128xi1>, vector<512x128xf32>
    %slice3A_190 = vector.extract_strided_slice %get3A_11 {offsets = [0, 2176], sizes = [1, 128], strides = [1, 1]} : vector<1x8192xf32> to vector<1x128xf32>
    %add3A_191 = vector.broadcast %reshape3A : vector<512x1xf32> to vector<512x128xf32>
    %add3A_192 = vector.broadcast %slice3A_190 : vector<1x128xf32> to vector<512x128xf32>
    %add3A_193 = arith.addf %add3A_191, %add3A_192 : vector<512x128xf32>
    %slice3A_194 = vector.extract_strided_slice %dot_general3A_5 {offsets = [0, 2176], sizes = [512, 128], strides = [1, 1]} : vector<512x8192xf32> to vector<512x128xf32>
    %sub3A_195 = arith.subf %add3A_193, %slice3A_194 : vector<512x128xf32>
    %lt3A_196 = arith.cmpf olt, %sub3A_195, %select_n3A_186 : vector<512x128xf32>
    %select_n3A_197 = arith.select %lt3A_196, %sub3A_195, %select_n3A_186 : vector<512x128xi1>, vector<512x128xf32>
    %jit3A_198 = arith.constant 1.700000e+01 : f32
    %broadcast_in_dim3A_199 = vector.broadcast %jit3A_198 : f32 to vector<512x128xf32>
    %select_n3A_200 = arith.select %lt3A_196, %broadcast_in_dim3A_199, %select_n3A_189 : vector<512x128xi1>, vector<512x128xf32>
    %slice3A_201 = vector.extract_strided_slice %get3A_11 {offsets = [0, 2304], sizes = [1, 128], strides = [1, 1]} : vector<1x8192xf32> to vector<1x128xf32>
    %add3A_202 = vector.broadcast %reshape3A : vector<512x1xf32> to vector<512x128xf32>
    %add3A_203 = vector.broadcast %slice3A_201 : vector<1x128xf32> to vector<512x128xf32>
    %add3A_204 = arith.addf %add3A_202, %add3A_203 : vector<512x128xf32>
    %slice3A_205 = vector.extract_strided_slice %dot_general3A_5 {offsets = [0, 2304], sizes = [512, 128], strides = [1, 1]} : vector<512x8192xf32> to vector<512x128xf32>
    %sub3A_206 = arith.subf %add3A_204, %slice3A_205 : vector<512x128xf32>
    %lt3A_207 = arith.cmpf olt, %sub3A_206, %select_n3A_197 : vector<512x128xf32>
    %select_n3A_208 = arith.select %lt3A_207, %sub3A_206, %select_n3A_197 : vector<512x128xi1>, vector<512x128xf32>
    %jit3A_209 = arith.constant 1.800000e+01 : f32
    %broadcast_in_dim3A_210 = vector.broadcast %jit3A_209 : f32 to vector<512x128xf32>
    %select_n3A_211 = arith.select %lt3A_207, %broadcast_in_dim3A_210, %select_n3A_200 : vector<512x128xi1>, vector<512x128xf32>
    %slice3A_212 = vector.extract_strided_slice %get3A_11 {offsets = [0, 2432], sizes = [1, 128], strides = [1, 1]} : vector<1x8192xf32> to vector<1x128xf32>
    %add3A_213 = vector.broadcast %reshape3A : vector<512x1xf32> to vector<512x128xf32>
    %add3A_214 = vector.broadcast %slice3A_212 : vector<1x128xf32> to vector<512x128xf32>
    %add3A_215 = arith.addf %add3A_213, %add3A_214 : vector<512x128xf32>
    %slice3A_216 = vector.extract_strided_slice %dot_general3A_5 {offsets = [0, 2432], sizes = [512, 128], strides = [1, 1]} : vector<512x8192xf32> to vector<512x128xf32>
    %sub3A_217 = arith.subf %add3A_215, %slice3A_216 : vector<512x128xf32>
    %lt3A_218 = arith.cmpf olt, %sub3A_217, %select_n3A_208 : vector<512x128xf32>
    %select_n3A_219 = arith.select %lt3A_218, %sub3A_217, %select_n3A_208 : vector<512x128xi1>, vector<512x128xf32>
    %jit3A_220 = arith.constant 1.900000e+01 : f32
    %broadcast_in_dim3A_221 = vector.broadcast %jit3A_220 : f32 to vector<512x128xf32>
    %select_n3A_222 = arith.select %lt3A_218, %broadcast_in_dim3A_221, %select_n3A_211 : vector<512x128xi1>, vector<512x128xf32>
    %slice3A_223 = vector.extract_strided_slice %get3A_11 {offsets = [0, 2560], sizes = [1, 128], strides = [1, 1]} : vector<1x8192xf32> to vector<1x128xf32>
    %add3A_224 = vector.broadcast %reshape3A : vector<512x1xf32> to vector<512x128xf32>
    %add3A_225 = vector.broadcast %slice3A_223 : vector<1x128xf32> to vector<512x128xf32>
    %add3A_226 = arith.addf %add3A_224, %add3A_225 : vector<512x128xf32>
    %slice3A_227 = vector.extract_strided_slice %dot_general3A_5 {offsets = [0, 2560], sizes = [512, 128], strides = [1, 1]} : vector<512x8192xf32> to vector<512x128xf32>
    %sub3A_228 = arith.subf %add3A_226, %slice3A_227 : vector<512x128xf32>
    %lt3A_229 = arith.cmpf olt, %sub3A_228, %select_n3A_219 : vector<512x128xf32>
    %select_n3A_230 = arith.select %lt3A_229, %sub3A_228, %select_n3A_219 : vector<512x128xi1>, vector<512x128xf32>
    %jit3A_231 = arith.constant 2.000000e+01 : f32
    %broadcast_in_dim3A_232 = vector.broadcast %jit3A_231 : f32 to vector<512x128xf32>
    %select_n3A_233 = arith.select %lt3A_229, %broadcast_in_dim3A_232, %select_n3A_222 : vector<512x128xi1>, vector<512x128xf32>
    %slice3A_234 = vector.extract_strided_slice %get3A_11 {offsets = [0, 2688], sizes = [1, 128], strides = [1, 1]} : vector<1x8192xf32> to vector<1x128xf32>
    %add3A_235 = vector.broadcast %reshape3A : vector<512x1xf32> to vector<512x128xf32>
    %add3A_236 = vector.broadcast %slice3A_234 : vector<1x128xf32> to vector<512x128xf32>
    %add3A_237 = arith.addf %add3A_235, %add3A_236 : vector<512x128xf32>
    %slice3A_238 = vector.extract_strided_slice %dot_general3A_5 {offsets = [0, 2688], sizes = [512, 128], strides = [1, 1]} : vector<512x8192xf32> to vector<512x128xf32>
    %sub3A_239 = arith.subf %add3A_237, %slice3A_238 : vector<512x128xf32>
    %lt3A_240 = arith.cmpf olt, %sub3A_239, %select_n3A_230 : vector<512x128xf32>
    %select_n3A_241 = arith.select %lt3A_240, %sub3A_239, %select_n3A_230 : vector<512x128xi1>, vector<512x128xf32>
    %jit3A_242 = arith.constant 2.100000e+01 : f32
    %broadcast_in_dim3A_243 = vector.broadcast %jit3A_242 : f32 to vector<512x128xf32>
    %select_n3A_244 = arith.select %lt3A_240, %broadcast_in_dim3A_243, %select_n3A_233 : vector<512x128xi1>, vector<512x128xf32>
    %slice3A_245 = vector.extract_strided_slice %get3A_11 {offsets = [0, 2816], sizes = [1, 128], strides = [1, 1]} : vector<1x8192xf32> to vector<1x128xf32>
    %add3A_246 = vector.broadcast %reshape3A : vector<512x1xf32> to vector<512x128xf32>
    %add3A_247 = vector.broadcast %slice3A_245 : vector<1x128xf32> to vector<512x128xf32>
    %add3A_248 = arith.addf %add3A_246, %add3A_247 : vector<512x128xf32>
    %slice3A_249 = vector.extract_strided_slice %dot_general3A_5 {offsets = [0, 2816], sizes = [512, 128], strides = [1, 1]} : vector<512x8192xf32> to vector<512x128xf32>
    %sub3A_250 = arith.subf %add3A_248, %slice3A_249 : vector<512x128xf32>
    %lt3A_251 = arith.cmpf olt, %sub3A_250, %select_n3A_241 : vector<512x128xf32>
    %select_n3A_252 = arith.select %lt3A_251, %sub3A_250, %select_n3A_241 : vector<512x128xi1>, vector<512x128xf32>
    %jit3A_253 = arith.constant 2.200000e+01 : f32
    %broadcast_in_dim3A_254 = vector.broadcast %jit3A_253 : f32 to vector<512x128xf32>
    %select_n3A_255 = arith.select %lt3A_251, %broadcast_in_dim3A_254, %select_n3A_244 : vector<512x128xi1>, vector<512x128xf32>
    %slice3A_256 = vector.extract_strided_slice %get3A_11 {offsets = [0, 2944], sizes = [1, 128], strides = [1, 1]} : vector<1x8192xf32> to vector<1x128xf32>
    %add3A_257 = vector.broadcast %reshape3A : vector<512x1xf32> to vector<512x128xf32>
    %add3A_258 = vector.broadcast %slice3A_256 : vector<1x128xf32> to vector<512x128xf32>
    %add3A_259 = arith.addf %add3A_257, %add3A_258 : vector<512x128xf32>
    %slice3A_260 = vector.extract_strided_slice %dot_general3A_5 {offsets = [0, 2944], sizes = [512, 128], strides = [1, 1]} : vector<512x8192xf32> to vector<512x128xf32>
    %sub3A_261 = arith.subf %add3A_259, %slice3A_260 : vector<512x128xf32>
    %lt3A_262 = arith.cmpf olt, %sub3A_261, %select_n3A_252 : vector<512x128xf32>
    %select_n3A_263 = arith.select %lt3A_262, %sub3A_261, %select_n3A_252 : vector<512x128xi1>, vector<512x128xf32>
    %jit3A_264 = arith.constant 2.300000e+01 : f32
    %broadcast_in_dim3A_265 = vector.broadcast %jit3A_264 : f32 to vector<512x128xf32>
    %select_n3A_266 = arith.select %lt3A_262, %broadcast_in_dim3A_265, %select_n3A_255 : vector<512x128xi1>, vector<512x128xf32>
    %slice3A_267 = vector.extract_strided_slice %get3A_11 {offsets = [0, 3072], sizes = [1, 128], strides = [1, 1]} : vector<1x8192xf32> to vector<1x128xf32>
    %add3A_268 = vector.broadcast %reshape3A : vector<512x1xf32> to vector<512x128xf32>
    %add3A_269 = vector.broadcast %slice3A_267 : vector<1x128xf32> to vector<512x128xf32>
    %add3A_270 = arith.addf %add3A_268, %add3A_269 : vector<512x128xf32>
    %slice3A_271 = vector.extract_strided_slice %dot_general3A_5 {offsets = [0, 3072], sizes = [512, 128], strides = [1, 1]} : vector<512x8192xf32> to vector<512x128xf32>
    %sub3A_272 = arith.subf %add3A_270, %slice3A_271 : vector<512x128xf32>
    %lt3A_273 = arith.cmpf olt, %sub3A_272, %select_n3A_263 : vector<512x128xf32>
    %select_n3A_274 = arith.select %lt3A_273, %sub3A_272, %select_n3A_263 : vector<512x128xi1>, vector<512x128xf32>
    %jit3A_275 = arith.constant 2.400000e+01 : f32
    %broadcast_in_dim3A_276 = vector.broadcast %jit3A_275 : f32 to vector<512x128xf32>
    %select_n3A_277 = arith.select %lt3A_273, %broadcast_in_dim3A_276, %select_n3A_266 : vector<512x128xi1>, vector<512x128xf32>
    %slice3A_278 = vector.extract_strided_slice %get3A_11 {offsets = [0, 3200], sizes = [1, 128], strides = [1, 1]} : vector<1x8192xf32> to vector<1x128xf32>
    %add3A_279 = vector.broadcast %reshape3A : vector<512x1xf32> to vector<512x128xf32>
    %add3A_280 = vector.broadcast %slice3A_278 : vector<1x128xf32> to vector<512x128xf32>
    %add3A_281 = arith.addf %add3A_279, %add3A_280 : vector<512x128xf32>
    %slice3A_282 = vector.extract_strided_slice %dot_general3A_5 {offsets = [0, 3200], sizes = [512, 128], strides = [1, 1]} : vector<512x8192xf32> to vector<512x128xf32>
    %sub3A_283 = arith.subf %add3A_281, %slice3A_282 : vector<512x128xf32>
    %lt3A_284 = arith.cmpf olt, %sub3A_283, %select_n3A_274 : vector<512x128xf32>
    %select_n3A_285 = arith.select %lt3A_284, %sub3A_283, %select_n3A_274 : vector<512x128xi1>, vector<512x128xf32>
    %jit3A_286 = arith.constant 2.500000e+01 : f32
    %broadcast_in_dim3A_287 = vector.broadcast %jit3A_286 : f32 to vector<512x128xf32>
    %select_n3A_288 = arith.select %lt3A_284, %broadcast_in_dim3A_287, %select_n3A_277 : vector<512x128xi1>, vector<512x128xf32>
    %slice3A_289 = vector.extract_strided_slice %get3A_11 {offsets = [0, 3328], sizes = [1, 128], strides = [1, 1]} : vector<1x8192xf32> to vector<1x128xf32>
    %add3A_290 = vector.broadcast %reshape3A : vector<512x1xf32> to vector<512x128xf32>
    %add3A_291 = vector.broadcast %slice3A_289 : vector<1x128xf32> to vector<512x128xf32>
    %add3A_292 = arith.addf %add3A_290, %add3A_291 : vector<512x128xf32>
    %slice3A_293 = vector.extract_strided_slice %dot_general3A_5 {offsets = [0, 3328], sizes = [512, 128], strides = [1, 1]} : vector<512x8192xf32> to vector<512x128xf32>
    %sub3A_294 = arith.subf %add3A_292, %slice3A_293 : vector<512x128xf32>
    %lt3A_295 = arith.cmpf olt, %sub3A_294, %select_n3A_285 : vector<512x128xf32>
    %select_n3A_296 = arith.select %lt3A_295, %sub3A_294, %select_n3A_285 : vector<512x128xi1>, vector<512x128xf32>
    %jit3A_297 = arith.constant 2.600000e+01 : f32
    %broadcast_in_dim3A_298 = vector.broadcast %jit3A_297 : f32 to vector<512x128xf32>
    %select_n3A_299 = arith.select %lt3A_295, %broadcast_in_dim3A_298, %select_n3A_288 : vector<512x128xi1>, vector<512x128xf32>
    %slice3A_300 = vector.extract_strided_slice %get3A_11 {offsets = [0, 3456], sizes = [1, 128], strides = [1, 1]} : vector<1x8192xf32> to vector<1x128xf32>
    %add3A_301 = vector.broadcast %reshape3A : vector<512x1xf32> to vector<512x128xf32>
    %add3A_302 = vector.broadcast %slice3A_300 : vector<1x128xf32> to vector<512x128xf32>
    %add3A_303 = arith.addf %add3A_301, %add3A_302 : vector<512x128xf32>
    %slice3A_304 = vector.extract_strided_slice %dot_general3A_5 {offsets = [0, 3456], sizes = [512, 128], strides = [1, 1]} : vector<512x8192xf32> to vector<512x128xf32>
    %sub3A_305 = arith.subf %add3A_303, %slice3A_304 : vector<512x128xf32>
    %lt3A_306 = arith.cmpf olt, %sub3A_305, %select_n3A_296 : vector<512x128xf32>
    %select_n3A_307 = arith.select %lt3A_306, %sub3A_305, %select_n3A_296 : vector<512x128xi1>, vector<512x128xf32>
    %jit3A_308 = arith.constant 2.700000e+01 : f32
    %broadcast_in_dim3A_309 = vector.broadcast %jit3A_308 : f32 to vector<512x128xf32>
    %select_n3A_310 = arith.select %lt3A_306, %broadcast_in_dim3A_309, %select_n3A_299 : vector<512x128xi1>, vector<512x128xf32>
    %slice3A_311 = vector.extract_strided_slice %get3A_11 {offsets = [0, 3584], sizes = [1, 128], strides = [1, 1]} : vector<1x8192xf32> to vector<1x128xf32>
    %add3A_312 = vector.broadcast %reshape3A : vector<512x1xf32> to vector<512x128xf32>
    %add3A_313 = vector.broadcast %slice3A_311 : vector<1x128xf32> to vector<512x128xf32>
    %add3A_314 = arith.addf %add3A_312, %add3A_313 : vector<512x128xf32>
    %slice3A_315 = vector.extract_strided_slice %dot_general3A_5 {offsets = [0, 3584], sizes = [512, 128], strides = [1, 1]} : vector<512x8192xf32> to vector<512x128xf32>
    %sub3A_316 = arith.subf %add3A_314, %slice3A_315 : vector<512x128xf32>
    %lt3A_317 = arith.cmpf olt, %sub3A_316, %select_n3A_307 : vector<512x128xf32>
    %select_n3A_318 = arith.select %lt3A_317, %sub3A_316, %select_n3A_307 : vector<512x128xi1>, vector<512x128xf32>
    %jit3A_319 = arith.constant 2.800000e+01 : f32
    %broadcast_in_dim3A_320 = vector.broadcast %jit3A_319 : f32 to vector<512x128xf32>
    %select_n3A_321 = arith.select %lt3A_317, %broadcast_in_dim3A_320, %select_n3A_310 : vector<512x128xi1>, vector<512x128xf32>
    %slice3A_322 = vector.extract_strided_slice %get3A_11 {offsets = [0, 3712], sizes = [1, 128], strides = [1, 1]} : vector<1x8192xf32> to vector<1x128xf32>
    %add3A_323 = vector.broadcast %reshape3A : vector<512x1xf32> to vector<512x128xf32>
    %add3A_324 = vector.broadcast %slice3A_322 : vector<1x128xf32> to vector<512x128xf32>
    %add3A_325 = arith.addf %add3A_323, %add3A_324 : vector<512x128xf32>
    %slice3A_326 = vector.extract_strided_slice %dot_general3A_5 {offsets = [0, 3712], sizes = [512, 128], strides = [1, 1]} : vector<512x8192xf32> to vector<512x128xf32>
    %sub3A_327 = arith.subf %add3A_325, %slice3A_326 : vector<512x128xf32>
    %lt3A_328 = arith.cmpf olt, %sub3A_327, %select_n3A_318 : vector<512x128xf32>
    %select_n3A_329 = arith.select %lt3A_328, %sub3A_327, %select_n3A_318 : vector<512x128xi1>, vector<512x128xf32>
    %jit3A_330 = arith.constant 2.900000e+01 : f32
    %broadcast_in_dim3A_331 = vector.broadcast %jit3A_330 : f32 to vector<512x128xf32>
    %select_n3A_332 = arith.select %lt3A_328, %broadcast_in_dim3A_331, %select_n3A_321 : vector<512x128xi1>, vector<512x128xf32>
    %slice3A_333 = vector.extract_strided_slice %get3A_11 {offsets = [0, 3840], sizes = [1, 128], strides = [1, 1]} : vector<1x8192xf32> to vector<1x128xf32>
    %add3A_334 = vector.broadcast %reshape3A : vector<512x1xf32> to vector<512x128xf32>
    %add3A_335 = vector.broadcast %slice3A_333 : vector<1x128xf32> to vector<512x128xf32>
    %add3A_336 = arith.addf %add3A_334, %add3A_335 : vector<512x128xf32>
    %slice3A_337 = vector.extract_strided_slice %dot_general3A_5 {offsets = [0, 3840], sizes = [512, 128], strides = [1, 1]} : vector<512x8192xf32> to vector<512x128xf32>
    %sub3A_338 = arith.subf %add3A_336, %slice3A_337 : vector<512x128xf32>
    %lt3A_339 = arith.cmpf olt, %sub3A_338, %select_n3A_329 : vector<512x128xf32>
    %select_n3A_340 = arith.select %lt3A_339, %sub3A_338, %select_n3A_329 : vector<512x128xi1>, vector<512x128xf32>
    %jit3A_341 = arith.constant 3.000000e+01 : f32
    %broadcast_in_dim3A_342 = vector.broadcast %jit3A_341 : f32 to vector<512x128xf32>
    %select_n3A_343 = arith.select %lt3A_339, %broadcast_in_dim3A_342, %select_n3A_332 : vector<512x128xi1>, vector<512x128xf32>
    %slice3A_344 = vector.extract_strided_slice %get3A_11 {offsets = [0, 3968], sizes = [1, 128], strides = [1, 1]} : vector<1x8192xf32> to vector<1x128xf32>
    %add3A_345 = vector.broadcast %reshape3A : vector<512x1xf32> to vector<512x128xf32>
    %add3A_346 = vector.broadcast %slice3A_344 : vector<1x128xf32> to vector<512x128xf32>
    %add3A_347 = arith.addf %add3A_345, %add3A_346 : vector<512x128xf32>
    %slice3A_348 = vector.extract_strided_slice %dot_general3A_5 {offsets = [0, 3968], sizes = [512, 128], strides = [1, 1]} : vector<512x8192xf32> to vector<512x128xf32>
    %sub3A_349 = arith.subf %add3A_347, %slice3A_348 : vector<512x128xf32>
    %lt3A_350 = arith.cmpf olt, %sub3A_349, %select_n3A_340 : vector<512x128xf32>
    %select_n3A_351 = arith.select %lt3A_350, %sub3A_349, %select_n3A_340 : vector<512x128xi1>, vector<512x128xf32>
    %jit3A_352 = arith.constant 3.100000e+01 : f32
    %broadcast_in_dim3A_353 = vector.broadcast %jit3A_352 : f32 to vector<512x128xf32>
    %select_n3A_354 = arith.select %lt3A_350, %broadcast_in_dim3A_353, %select_n3A_343 : vector<512x128xi1>, vector<512x128xf32>
    %mul3A = arith.constant 1.280000e+02 : f32
    %mul3A_355 = vector.broadcast %mul3A : f32 to vector<512x128xf32>
    %mul3A_356 = arith.mulf %select_n3A_354, %mul3A_355 : vector<512x128xf32>
    %add3A_357 = arith.addf %mul3A_356, %convert_element_type3A : vector<512x128xf32>
    %reduce_min3A = arith.constant dense<0x7F800000> : vector<512xf32>
    %reduce_min3A_358 = vector.multi_reduction <minimumf>, %select_n3A_351, %reduce_min3A [1] : vector<512x128xf32> to vector<512xf32>
    %broadcast_in_dim3A_359 = vector.shape_cast %reduce_min3A_358 : vector<512xf32> to vector<512x1xf32>
    %eq3A = vector.broadcast %broadcast_in_dim3A_359 : vector<512x1xf32> to vector<512x128xf32>
    %eq3A_360 = arith.cmpf oeq, %select_n3A_351, %eq3A : vector<512x128xf32>
    %jit3A_361 = arith.constant 4.096000e+03 : f32
    %broadcast_in_dim3A_362 = vector.broadcast %jit3A_361 : f32 to vector<512x128xf32>
    %select_n3A_363 = arith.select %eq3A_360, %add3A_357, %broadcast_in_dim3A_362 : vector<512x128xi1>, vector<512x128xf32>
    %reduce_min3A_364 = arith.constant dense<0x7F800000> : vector<512xf32>
    %reduce_min3A_365 = vector.multi_reduction <minimumf>, %select_n3A_363, %reduce_min3A_364 [1] : vector<512x128xf32> to vector<512xf32>
    %squeeze3A = vector.shape_cast %broadcast_in_dim3A_359 : vector<512x1xf32> to vector<512xf32>
    %slice3A_366 = vector.extract_strided_slice %get3A_11 {offsets = [0, 4096], sizes = [1, 128], strides = [1, 1]} : vector<1x8192xf32> to vector<1x128xf32>
    %add3A_367 = vector.broadcast %reshape3A : vector<512x1xf32> to vector<512x128xf32>
    %add3A_368 = vector.broadcast %slice3A_366 : vector<1x128xf32> to vector<512x128xf32>
    %add3A_369 = arith.addf %add3A_367, %add3A_368 : vector<512x128xf32>
    %slice3A_370 = vector.extract_strided_slice %dot_general3A_5 {offsets = [0, 4096], sizes = [512, 128], strides = [1, 1]} : vector<512x8192xf32> to vector<512x128xf32>
    %sub3A_371 = arith.subf %add3A_369, %slice3A_370 : vector<512x128xf32>
    %broadcast_in_dim3A_372 = arith.constant 0.000000e+00 : f32
    %broadcast_in_dim3A_373 = vector.broadcast %broadcast_in_dim3A_372 : f32 to vector<512x128xf32>
    %slice3A_374 = vector.extract_strided_slice %get3A_11 {offsets = [0, 4224], sizes = [1, 128], strides = [1, 1]} : vector<1x8192xf32> to vector<1x128xf32>
    %add3A_375 = vector.broadcast %reshape3A : vector<512x1xf32> to vector<512x128xf32>
    %add3A_376 = vector.broadcast %slice3A_374 : vector<1x128xf32> to vector<512x128xf32>
    %add3A_377 = arith.addf %add3A_375, %add3A_376 : vector<512x128xf32>
    %slice3A_378 = vector.extract_strided_slice %dot_general3A_5 {offsets = [0, 4224], sizes = [512, 128], strides = [1, 1]} : vector<512x8192xf32> to vector<512x128xf32>
    %sub3A_379 = arith.subf %add3A_377, %slice3A_378 : vector<512x128xf32>
    %lt3A_380 = arith.cmpf olt, %sub3A_379, %sub3A_371 : vector<512x128xf32>
    %select_n3A_381 = arith.select %lt3A_380, %sub3A_379, %sub3A_371 : vector<512x128xi1>, vector<512x128xf32>
    %jit3A_382 = arith.constant 1.000000e+00 : f32
    %broadcast_in_dim3A_383 = vector.broadcast %jit3A_382 : f32 to vector<512x128xf32>
    %select_n3A_384 = arith.select %lt3A_380, %broadcast_in_dim3A_383, %broadcast_in_dim3A_373 : vector<512x128xi1>, vector<512x128xf32>
    %slice3A_385 = vector.extract_strided_slice %get3A_11 {offsets = [0, 4352], sizes = [1, 128], strides = [1, 1]} : vector<1x8192xf32> to vector<1x128xf32>
    %add3A_386 = vector.broadcast %reshape3A : vector<512x1xf32> to vector<512x128xf32>
    %add3A_387 = vector.broadcast %slice3A_385 : vector<1x128xf32> to vector<512x128xf32>
    %add3A_388 = arith.addf %add3A_386, %add3A_387 : vector<512x128xf32>
    %slice3A_389 = vector.extract_strided_slice %dot_general3A_5 {offsets = [0, 4352], sizes = [512, 128], strides = [1, 1]} : vector<512x8192xf32> to vector<512x128xf32>
    %sub3A_390 = arith.subf %add3A_388, %slice3A_389 : vector<512x128xf32>
    %lt3A_391 = arith.cmpf olt, %sub3A_390, %select_n3A_381 : vector<512x128xf32>
    %select_n3A_392 = arith.select %lt3A_391, %sub3A_390, %select_n3A_381 : vector<512x128xi1>, vector<512x128xf32>
    %jit3A_393 = arith.constant 2.000000e+00 : f32
    %broadcast_in_dim3A_394 = vector.broadcast %jit3A_393 : f32 to vector<512x128xf32>
    %select_n3A_395 = arith.select %lt3A_391, %broadcast_in_dim3A_394, %select_n3A_384 : vector<512x128xi1>, vector<512x128xf32>
    %slice3A_396 = vector.extract_strided_slice %get3A_11 {offsets = [0, 4480], sizes = [1, 128], strides = [1, 1]} : vector<1x8192xf32> to vector<1x128xf32>
    %add3A_397 = vector.broadcast %reshape3A : vector<512x1xf32> to vector<512x128xf32>
    %add3A_398 = vector.broadcast %slice3A_396 : vector<1x128xf32> to vector<512x128xf32>
    %add3A_399 = arith.addf %add3A_397, %add3A_398 : vector<512x128xf32>
    %slice3A_400 = vector.extract_strided_slice %dot_general3A_5 {offsets = [0, 4480], sizes = [512, 128], strides = [1, 1]} : vector<512x8192xf32> to vector<512x128xf32>
    %sub3A_401 = arith.subf %add3A_399, %slice3A_400 : vector<512x128xf32>
    %lt3A_402 = arith.cmpf olt, %sub3A_401, %select_n3A_392 : vector<512x128xf32>
    %select_n3A_403 = arith.select %lt3A_402, %sub3A_401, %select_n3A_392 : vector<512x128xi1>, vector<512x128xf32>
    %jit3A_404 = arith.constant 3.000000e+00 : f32
    %broadcast_in_dim3A_405 = vector.broadcast %jit3A_404 : f32 to vector<512x128xf32>
    %select_n3A_406 = arith.select %lt3A_402, %broadcast_in_dim3A_405, %select_n3A_395 : vector<512x128xi1>, vector<512x128xf32>
    %slice3A_407 = vector.extract_strided_slice %get3A_11 {offsets = [0, 4608], sizes = [1, 128], strides = [1, 1]} : vector<1x8192xf32> to vector<1x128xf32>
    %add3A_408 = vector.broadcast %reshape3A : vector<512x1xf32> to vector<512x128xf32>
    %add3A_409 = vector.broadcast %slice3A_407 : vector<1x128xf32> to vector<512x128xf32>
    %add3A_410 = arith.addf %add3A_408, %add3A_409 : vector<512x128xf32>
    %slice3A_411 = vector.extract_strided_slice %dot_general3A_5 {offsets = [0, 4608], sizes = [512, 128], strides = [1, 1]} : vector<512x8192xf32> to vector<512x128xf32>
    %sub3A_412 = arith.subf %add3A_410, %slice3A_411 : vector<512x128xf32>
    %lt3A_413 = arith.cmpf olt, %sub3A_412, %select_n3A_403 : vector<512x128xf32>
    %select_n3A_414 = arith.select %lt3A_413, %sub3A_412, %select_n3A_403 : vector<512x128xi1>, vector<512x128xf32>
    %jit3A_415 = arith.constant 4.000000e+00 : f32
    %broadcast_in_dim3A_416 = vector.broadcast %jit3A_415 : f32 to vector<512x128xf32>
    %select_n3A_417 = arith.select %lt3A_413, %broadcast_in_dim3A_416, %select_n3A_406 : vector<512x128xi1>, vector<512x128xf32>
    %slice3A_418 = vector.extract_strided_slice %get3A_11 {offsets = [0, 4736], sizes = [1, 128], strides = [1, 1]} : vector<1x8192xf32> to vector<1x128xf32>
    %add3A_419 = vector.broadcast %reshape3A : vector<512x1xf32> to vector<512x128xf32>
    %add3A_420 = vector.broadcast %slice3A_418 : vector<1x128xf32> to vector<512x128xf32>
    %add3A_421 = arith.addf %add3A_419, %add3A_420 : vector<512x128xf32>
    %slice3A_422 = vector.extract_strided_slice %dot_general3A_5 {offsets = [0, 4736], sizes = [512, 128], strides = [1, 1]} : vector<512x8192xf32> to vector<512x128xf32>
    %sub3A_423 = arith.subf %add3A_421, %slice3A_422 : vector<512x128xf32>
    %lt3A_424 = arith.cmpf olt, %sub3A_423, %select_n3A_414 : vector<512x128xf32>
    %select_n3A_425 = arith.select %lt3A_424, %sub3A_423, %select_n3A_414 : vector<512x128xi1>, vector<512x128xf32>
    %jit3A_426 = arith.constant 5.000000e+00 : f32
    %broadcast_in_dim3A_427 = vector.broadcast %jit3A_426 : f32 to vector<512x128xf32>
    %select_n3A_428 = arith.select %lt3A_424, %broadcast_in_dim3A_427, %select_n3A_417 : vector<512x128xi1>, vector<512x128xf32>
    %slice3A_429 = vector.extract_strided_slice %get3A_11 {offsets = [0, 4864], sizes = [1, 128], strides = [1, 1]} : vector<1x8192xf32> to vector<1x128xf32>
    %add3A_430 = vector.broadcast %reshape3A : vector<512x1xf32> to vector<512x128xf32>
    %add3A_431 = vector.broadcast %slice3A_429 : vector<1x128xf32> to vector<512x128xf32>
    %add3A_432 = arith.addf %add3A_430, %add3A_431 : vector<512x128xf32>
    %slice3A_433 = vector.extract_strided_slice %dot_general3A_5 {offsets = [0, 4864], sizes = [512, 128], strides = [1, 1]} : vector<512x8192xf32> to vector<512x128xf32>
    %sub3A_434 = arith.subf %add3A_432, %slice3A_433 : vector<512x128xf32>
    %lt3A_435 = arith.cmpf olt, %sub3A_434, %select_n3A_425 : vector<512x128xf32>
    %select_n3A_436 = arith.select %lt3A_435, %sub3A_434, %select_n3A_425 : vector<512x128xi1>, vector<512x128xf32>
    %jit3A_437 = arith.constant 6.000000e+00 : f32
    %broadcast_in_dim3A_438 = vector.broadcast %jit3A_437 : f32 to vector<512x128xf32>
    %select_n3A_439 = arith.select %lt3A_435, %broadcast_in_dim3A_438, %select_n3A_428 : vector<512x128xi1>, vector<512x128xf32>
    %slice3A_440 = vector.extract_strided_slice %get3A_11 {offsets = [0, 4992], sizes = [1, 128], strides = [1, 1]} : vector<1x8192xf32> to vector<1x128xf32>
    %add3A_441 = vector.broadcast %reshape3A : vector<512x1xf32> to vector<512x128xf32>
    %add3A_442 = vector.broadcast %slice3A_440 : vector<1x128xf32> to vector<512x128xf32>
    %add3A_443 = arith.addf %add3A_441, %add3A_442 : vector<512x128xf32>
    %slice3A_444 = vector.extract_strided_slice %dot_general3A_5 {offsets = [0, 4992], sizes = [512, 128], strides = [1, 1]} : vector<512x8192xf32> to vector<512x128xf32>
    %sub3A_445 = arith.subf %add3A_443, %slice3A_444 : vector<512x128xf32>
    %lt3A_446 = arith.cmpf olt, %sub3A_445, %select_n3A_436 : vector<512x128xf32>
    %select_n3A_447 = arith.select %lt3A_446, %sub3A_445, %select_n3A_436 : vector<512x128xi1>, vector<512x128xf32>
    %jit3A_448 = arith.constant 7.000000e+00 : f32
    %broadcast_in_dim3A_449 = vector.broadcast %jit3A_448 : f32 to vector<512x128xf32>
    %select_n3A_450 = arith.select %lt3A_446, %broadcast_in_dim3A_449, %select_n3A_439 : vector<512x128xi1>, vector<512x128xf32>
    %slice3A_451 = vector.extract_strided_slice %get3A_11 {offsets = [0, 5120], sizes = [1, 128], strides = [1, 1]} : vector<1x8192xf32> to vector<1x128xf32>
    %add3A_452 = vector.broadcast %reshape3A : vector<512x1xf32> to vector<512x128xf32>
    %add3A_453 = vector.broadcast %slice3A_451 : vector<1x128xf32> to vector<512x128xf32>
    %add3A_454 = arith.addf %add3A_452, %add3A_453 : vector<512x128xf32>
    %slice3A_455 = vector.extract_strided_slice %dot_general3A_5 {offsets = [0, 5120], sizes = [512, 128], strides = [1, 1]} : vector<512x8192xf32> to vector<512x128xf32>
    %sub3A_456 = arith.subf %add3A_454, %slice3A_455 : vector<512x128xf32>
    %lt3A_457 = arith.cmpf olt, %sub3A_456, %select_n3A_447 : vector<512x128xf32>
    %select_n3A_458 = arith.select %lt3A_457, %sub3A_456, %select_n3A_447 : vector<512x128xi1>, vector<512x128xf32>
    %jit3A_459 = arith.constant 8.000000e+00 : f32
    %broadcast_in_dim3A_460 = vector.broadcast %jit3A_459 : f32 to vector<512x128xf32>
    %select_n3A_461 = arith.select %lt3A_457, %broadcast_in_dim3A_460, %select_n3A_450 : vector<512x128xi1>, vector<512x128xf32>
    %slice3A_462 = vector.extract_strided_slice %get3A_11 {offsets = [0, 5248], sizes = [1, 128], strides = [1, 1]} : vector<1x8192xf32> to vector<1x128xf32>
    %add3A_463 = vector.broadcast %reshape3A : vector<512x1xf32> to vector<512x128xf32>
    %add3A_464 = vector.broadcast %slice3A_462 : vector<1x128xf32> to vector<512x128xf32>
    %add3A_465 = arith.addf %add3A_463, %add3A_464 : vector<512x128xf32>
    %slice3A_466 = vector.extract_strided_slice %dot_general3A_5 {offsets = [0, 5248], sizes = [512, 128], strides = [1, 1]} : vector<512x8192xf32> to vector<512x128xf32>
    %sub3A_467 = arith.subf %add3A_465, %slice3A_466 : vector<512x128xf32>
    %lt3A_468 = arith.cmpf olt, %sub3A_467, %select_n3A_458 : vector<512x128xf32>
    %select_n3A_469 = arith.select %lt3A_468, %sub3A_467, %select_n3A_458 : vector<512x128xi1>, vector<512x128xf32>
    %jit3A_470 = arith.constant 9.000000e+00 : f32
    %broadcast_in_dim3A_471 = vector.broadcast %jit3A_470 : f32 to vector<512x128xf32>
    %select_n3A_472 = arith.select %lt3A_468, %broadcast_in_dim3A_471, %select_n3A_461 : vector<512x128xi1>, vector<512x128xf32>
    %slice3A_473 = vector.extract_strided_slice %get3A_11 {offsets = [0, 5376], sizes = [1, 128], strides = [1, 1]} : vector<1x8192xf32> to vector<1x128xf32>
    %add3A_474 = vector.broadcast %reshape3A : vector<512x1xf32> to vector<512x128xf32>
    %add3A_475 = vector.broadcast %slice3A_473 : vector<1x128xf32> to vector<512x128xf32>
    %add3A_476 = arith.addf %add3A_474, %add3A_475 : vector<512x128xf32>
    %slice3A_477 = vector.extract_strided_slice %dot_general3A_5 {offsets = [0, 5376], sizes = [512, 128], strides = [1, 1]} : vector<512x8192xf32> to vector<512x128xf32>
    %sub3A_478 = arith.subf %add3A_476, %slice3A_477 : vector<512x128xf32>
    %lt3A_479 = arith.cmpf olt, %sub3A_478, %select_n3A_469 : vector<512x128xf32>
    %select_n3A_480 = arith.select %lt3A_479, %sub3A_478, %select_n3A_469 : vector<512x128xi1>, vector<512x128xf32>
    %jit3A_481 = arith.constant 1.000000e+01 : f32
    %broadcast_in_dim3A_482 = vector.broadcast %jit3A_481 : f32 to vector<512x128xf32>
    %select_n3A_483 = arith.select %lt3A_479, %broadcast_in_dim3A_482, %select_n3A_472 : vector<512x128xi1>, vector<512x128xf32>
    %slice3A_484 = vector.extract_strided_slice %get3A_11 {offsets = [0, 5504], sizes = [1, 128], strides = [1, 1]} : vector<1x8192xf32> to vector<1x128xf32>
    %add3A_485 = vector.broadcast %reshape3A : vector<512x1xf32> to vector<512x128xf32>
    %add3A_486 = vector.broadcast %slice3A_484 : vector<1x128xf32> to vector<512x128xf32>
    %add3A_487 = arith.addf %add3A_485, %add3A_486 : vector<512x128xf32>
    %slice3A_488 = vector.extract_strided_slice %dot_general3A_5 {offsets = [0, 5504], sizes = [512, 128], strides = [1, 1]} : vector<512x8192xf32> to vector<512x128xf32>
    %sub3A_489 = arith.subf %add3A_487, %slice3A_488 : vector<512x128xf32>
    %lt3A_490 = arith.cmpf olt, %sub3A_489, %select_n3A_480 : vector<512x128xf32>
    %select_n3A_491 = arith.select %lt3A_490, %sub3A_489, %select_n3A_480 : vector<512x128xi1>, vector<512x128xf32>
    %jit3A_492 = arith.constant 1.100000e+01 : f32
    %broadcast_in_dim3A_493 = vector.broadcast %jit3A_492 : f32 to vector<512x128xf32>
    %select_n3A_494 = arith.select %lt3A_490, %broadcast_in_dim3A_493, %select_n3A_483 : vector<512x128xi1>, vector<512x128xf32>
    %slice3A_495 = vector.extract_strided_slice %get3A_11 {offsets = [0, 5632], sizes = [1, 128], strides = [1, 1]} : vector<1x8192xf32> to vector<1x128xf32>
    %add3A_496 = vector.broadcast %reshape3A : vector<512x1xf32> to vector<512x128xf32>
    %add3A_497 = vector.broadcast %slice3A_495 : vector<1x128xf32> to vector<512x128xf32>
    %add3A_498 = arith.addf %add3A_496, %add3A_497 : vector<512x128xf32>
    %slice3A_499 = vector.extract_strided_slice %dot_general3A_5 {offsets = [0, 5632], sizes = [512, 128], strides = [1, 1]} : vector<512x8192xf32> to vector<512x128xf32>
    %sub3A_500 = arith.subf %add3A_498, %slice3A_499 : vector<512x128xf32>
    %lt3A_501 = arith.cmpf olt, %sub3A_500, %select_n3A_491 : vector<512x128xf32>
    %select_n3A_502 = arith.select %lt3A_501, %sub3A_500, %select_n3A_491 : vector<512x128xi1>, vector<512x128xf32>
    %jit3A_503 = arith.constant 1.200000e+01 : f32
    %broadcast_in_dim3A_504 = vector.broadcast %jit3A_503 : f32 to vector<512x128xf32>
    %select_n3A_505 = arith.select %lt3A_501, %broadcast_in_dim3A_504, %select_n3A_494 : vector<512x128xi1>, vector<512x128xf32>
    %slice3A_506 = vector.extract_strided_slice %get3A_11 {offsets = [0, 5760], sizes = [1, 128], strides = [1, 1]} : vector<1x8192xf32> to vector<1x128xf32>
    %add3A_507 = vector.broadcast %reshape3A : vector<512x1xf32> to vector<512x128xf32>
    %add3A_508 = vector.broadcast %slice3A_506 : vector<1x128xf32> to vector<512x128xf32>
    %add3A_509 = arith.addf %add3A_507, %add3A_508 : vector<512x128xf32>
    %slice3A_510 = vector.extract_strided_slice %dot_general3A_5 {offsets = [0, 5760], sizes = [512, 128], strides = [1, 1]} : vector<512x8192xf32> to vector<512x128xf32>
    %sub3A_511 = arith.subf %add3A_509, %slice3A_510 : vector<512x128xf32>
    %lt3A_512 = arith.cmpf olt, %sub3A_511, %select_n3A_502 : vector<512x128xf32>
    %select_n3A_513 = arith.select %lt3A_512, %sub3A_511, %select_n3A_502 : vector<512x128xi1>, vector<512x128xf32>
    %jit3A_514 = arith.constant 1.300000e+01 : f32
    %broadcast_in_dim3A_515 = vector.broadcast %jit3A_514 : f32 to vector<512x128xf32>
    %select_n3A_516 = arith.select %lt3A_512, %broadcast_in_dim3A_515, %select_n3A_505 : vector<512x128xi1>, vector<512x128xf32>
    %slice3A_517 = vector.extract_strided_slice %get3A_11 {offsets = [0, 5888], sizes = [1, 128], strides = [1, 1]} : vector<1x8192xf32> to vector<1x128xf32>
    %add3A_518 = vector.broadcast %reshape3A : vector<512x1xf32> to vector<512x128xf32>
    %add3A_519 = vector.broadcast %slice3A_517 : vector<1x128xf32> to vector<512x128xf32>
    %add3A_520 = arith.addf %add3A_518, %add3A_519 : vector<512x128xf32>
    %slice3A_521 = vector.extract_strided_slice %dot_general3A_5 {offsets = [0, 5888], sizes = [512, 128], strides = [1, 1]} : vector<512x8192xf32> to vector<512x128xf32>
    %sub3A_522 = arith.subf %add3A_520, %slice3A_521 : vector<512x128xf32>
    %lt3A_523 = arith.cmpf olt, %sub3A_522, %select_n3A_513 : vector<512x128xf32>
    %select_n3A_524 = arith.select %lt3A_523, %sub3A_522, %select_n3A_513 : vector<512x128xi1>, vector<512x128xf32>
    %jit3A_525 = arith.constant 1.400000e+01 : f32
    %broadcast_in_dim3A_526 = vector.broadcast %jit3A_525 : f32 to vector<512x128xf32>
    %select_n3A_527 = arith.select %lt3A_523, %broadcast_in_dim3A_526, %select_n3A_516 : vector<512x128xi1>, vector<512x128xf32>
    %slice3A_528 = vector.extract_strided_slice %get3A_11 {offsets = [0, 6016], sizes = [1, 128], strides = [1, 1]} : vector<1x8192xf32> to vector<1x128xf32>
    %add3A_529 = vector.broadcast %reshape3A : vector<512x1xf32> to vector<512x128xf32>
    %add3A_530 = vector.broadcast %slice3A_528 : vector<1x128xf32> to vector<512x128xf32>
    %add3A_531 = arith.addf %add3A_529, %add3A_530 : vector<512x128xf32>
    %slice3A_532 = vector.extract_strided_slice %dot_general3A_5 {offsets = [0, 6016], sizes = [512, 128], strides = [1, 1]} : vector<512x8192xf32> to vector<512x128xf32>
    %sub3A_533 = arith.subf %add3A_531, %slice3A_532 : vector<512x128xf32>
    %lt3A_534 = arith.cmpf olt, %sub3A_533, %select_n3A_524 : vector<512x128xf32>
    %select_n3A_535 = arith.select %lt3A_534, %sub3A_533, %select_n3A_524 : vector<512x128xi1>, vector<512x128xf32>
    %jit3A_536 = arith.constant 1.500000e+01 : f32
    %broadcast_in_dim3A_537 = vector.broadcast %jit3A_536 : f32 to vector<512x128xf32>
    %select_n3A_538 = arith.select %lt3A_534, %broadcast_in_dim3A_537, %select_n3A_527 : vector<512x128xi1>, vector<512x128xf32>
    %slice3A_539 = vector.extract_strided_slice %get3A_11 {offsets = [0, 6144], sizes = [1, 128], strides = [1, 1]} : vector<1x8192xf32> to vector<1x128xf32>
    %add3A_540 = vector.broadcast %reshape3A : vector<512x1xf32> to vector<512x128xf32>
    %add3A_541 = vector.broadcast %slice3A_539 : vector<1x128xf32> to vector<512x128xf32>
    %add3A_542 = arith.addf %add3A_540, %add3A_541 : vector<512x128xf32>
    %slice3A_543 = vector.extract_strided_slice %dot_general3A_5 {offsets = [0, 6144], sizes = [512, 128], strides = [1, 1]} : vector<512x8192xf32> to vector<512x128xf32>
    %sub3A_544 = arith.subf %add3A_542, %slice3A_543 : vector<512x128xf32>
    %lt3A_545 = arith.cmpf olt, %sub3A_544, %select_n3A_535 : vector<512x128xf32>
    %select_n3A_546 = arith.select %lt3A_545, %sub3A_544, %select_n3A_535 : vector<512x128xi1>, vector<512x128xf32>
    %jit3A_547 = arith.constant 1.600000e+01 : f32
    %broadcast_in_dim3A_548 = vector.broadcast %jit3A_547 : f32 to vector<512x128xf32>
    %select_n3A_549 = arith.select %lt3A_545, %broadcast_in_dim3A_548, %select_n3A_538 : vector<512x128xi1>, vector<512x128xf32>
    %slice3A_550 = vector.extract_strided_slice %get3A_11 {offsets = [0, 6272], sizes = [1, 128], strides = [1, 1]} : vector<1x8192xf32> to vector<1x128xf32>
    %add3A_551 = vector.broadcast %reshape3A : vector<512x1xf32> to vector<512x128xf32>
    %add3A_552 = vector.broadcast %slice3A_550 : vector<1x128xf32> to vector<512x128xf32>
    %add3A_553 = arith.addf %add3A_551, %add3A_552 : vector<512x128xf32>
    %slice3A_554 = vector.extract_strided_slice %dot_general3A_5 {offsets = [0, 6272], sizes = [512, 128], strides = [1, 1]} : vector<512x8192xf32> to vector<512x128xf32>
    %sub3A_555 = arith.subf %add3A_553, %slice3A_554 : vector<512x128xf32>
    %lt3A_556 = arith.cmpf olt, %sub3A_555, %select_n3A_546 : vector<512x128xf32>
    %select_n3A_557 = arith.select %lt3A_556, %sub3A_555, %select_n3A_546 : vector<512x128xi1>, vector<512x128xf32>
    %jit3A_558 = arith.constant 1.700000e+01 : f32
    %broadcast_in_dim3A_559 = vector.broadcast %jit3A_558 : f32 to vector<512x128xf32>
    %select_n3A_560 = arith.select %lt3A_556, %broadcast_in_dim3A_559, %select_n3A_549 : vector<512x128xi1>, vector<512x128xf32>
    %slice3A_561 = vector.extract_strided_slice %get3A_11 {offsets = [0, 6400], sizes = [1, 128], strides = [1, 1]} : vector<1x8192xf32> to vector<1x128xf32>
    %add3A_562 = vector.broadcast %reshape3A : vector<512x1xf32> to vector<512x128xf32>
    %add3A_563 = vector.broadcast %slice3A_561 : vector<1x128xf32> to vector<512x128xf32>
    %add3A_564 = arith.addf %add3A_562, %add3A_563 : vector<512x128xf32>
    %slice3A_565 = vector.extract_strided_slice %dot_general3A_5 {offsets = [0, 6400], sizes = [512, 128], strides = [1, 1]} : vector<512x8192xf32> to vector<512x128xf32>
    %sub3A_566 = arith.subf %add3A_564, %slice3A_565 : vector<512x128xf32>
    %lt3A_567 = arith.cmpf olt, %sub3A_566, %select_n3A_557 : vector<512x128xf32>
    %select_n3A_568 = arith.select %lt3A_567, %sub3A_566, %select_n3A_557 : vector<512x128xi1>, vector<512x128xf32>
    %jit3A_569 = arith.constant 1.800000e+01 : f32
    %broadcast_in_dim3A_570 = vector.broadcast %jit3A_569 : f32 to vector<512x128xf32>
    %select_n3A_571 = arith.select %lt3A_567, %broadcast_in_dim3A_570, %select_n3A_560 : vector<512x128xi1>, vector<512x128xf32>
    %slice3A_572 = vector.extract_strided_slice %get3A_11 {offsets = [0, 6528], sizes = [1, 128], strides = [1, 1]} : vector<1x8192xf32> to vector<1x128xf32>
    %add3A_573 = vector.broadcast %reshape3A : vector<512x1xf32> to vector<512x128xf32>
    %add3A_574 = vector.broadcast %slice3A_572 : vector<1x128xf32> to vector<512x128xf32>
    %add3A_575 = arith.addf %add3A_573, %add3A_574 : vector<512x128xf32>
    %slice3A_576 = vector.extract_strided_slice %dot_general3A_5 {offsets = [0, 6528], sizes = [512, 128], strides = [1, 1]} : vector<512x8192xf32> to vector<512x128xf32>
    %sub3A_577 = arith.subf %add3A_575, %slice3A_576 : vector<512x128xf32>
    %lt3A_578 = arith.cmpf olt, %sub3A_577, %select_n3A_568 : vector<512x128xf32>
    %select_n3A_579 = arith.select %lt3A_578, %sub3A_577, %select_n3A_568 : vector<512x128xi1>, vector<512x128xf32>
    %jit3A_580 = arith.constant 1.900000e+01 : f32
    %broadcast_in_dim3A_581 = vector.broadcast %jit3A_580 : f32 to vector<512x128xf32>
    %select_n3A_582 = arith.select %lt3A_578, %broadcast_in_dim3A_581, %select_n3A_571 : vector<512x128xi1>, vector<512x128xf32>
    %slice3A_583 = vector.extract_strided_slice %get3A_11 {offsets = [0, 6656], sizes = [1, 128], strides = [1, 1]} : vector<1x8192xf32> to vector<1x128xf32>
    %add3A_584 = vector.broadcast %reshape3A : vector<512x1xf32> to vector<512x128xf32>
    %add3A_585 = vector.broadcast %slice3A_583 : vector<1x128xf32> to vector<512x128xf32>
    %add3A_586 = arith.addf %add3A_584, %add3A_585 : vector<512x128xf32>
    %slice3A_587 = vector.extract_strided_slice %dot_general3A_5 {offsets = [0, 6656], sizes = [512, 128], strides = [1, 1]} : vector<512x8192xf32> to vector<512x128xf32>
    %sub3A_588 = arith.subf %add3A_586, %slice3A_587 : vector<512x128xf32>
    %lt3A_589 = arith.cmpf olt, %sub3A_588, %select_n3A_579 : vector<512x128xf32>
    %select_n3A_590 = arith.select %lt3A_589, %sub3A_588, %select_n3A_579 : vector<512x128xi1>, vector<512x128xf32>
    %jit3A_591 = arith.constant 2.000000e+01 : f32
    %broadcast_in_dim3A_592 = vector.broadcast %jit3A_591 : f32 to vector<512x128xf32>
    %select_n3A_593 = arith.select %lt3A_589, %broadcast_in_dim3A_592, %select_n3A_582 : vector<512x128xi1>, vector<512x128xf32>
    %slice3A_594 = vector.extract_strided_slice %get3A_11 {offsets = [0, 6784], sizes = [1, 128], strides = [1, 1]} : vector<1x8192xf32> to vector<1x128xf32>
    %add3A_595 = vector.broadcast %reshape3A : vector<512x1xf32> to vector<512x128xf32>
    %add3A_596 = vector.broadcast %slice3A_594 : vector<1x128xf32> to vector<512x128xf32>
    %add3A_597 = arith.addf %add3A_595, %add3A_596 : vector<512x128xf32>
    %slice3A_598 = vector.extract_strided_slice %dot_general3A_5 {offsets = [0, 6784], sizes = [512, 128], strides = [1, 1]} : vector<512x8192xf32> to vector<512x128xf32>
    %sub3A_599 = arith.subf %add3A_597, %slice3A_598 : vector<512x128xf32>
    %lt3A_600 = arith.cmpf olt, %sub3A_599, %select_n3A_590 : vector<512x128xf32>
    %select_n3A_601 = arith.select %lt3A_600, %sub3A_599, %select_n3A_590 : vector<512x128xi1>, vector<512x128xf32>
    %jit3A_602 = arith.constant 2.100000e+01 : f32
    %broadcast_in_dim3A_603 = vector.broadcast %jit3A_602 : f32 to vector<512x128xf32>
    %select_n3A_604 = arith.select %lt3A_600, %broadcast_in_dim3A_603, %select_n3A_593 : vector<512x128xi1>, vector<512x128xf32>
    %slice3A_605 = vector.extract_strided_slice %get3A_11 {offsets = [0, 6912], sizes = [1, 128], strides = [1, 1]} : vector<1x8192xf32> to vector<1x128xf32>
    %add3A_606 = vector.broadcast %reshape3A : vector<512x1xf32> to vector<512x128xf32>
    %add3A_607 = vector.broadcast %slice3A_605 : vector<1x128xf32> to vector<512x128xf32>
    %add3A_608 = arith.addf %add3A_606, %add3A_607 : vector<512x128xf32>
    %slice3A_609 = vector.extract_strided_slice %dot_general3A_5 {offsets = [0, 6912], sizes = [512, 128], strides = [1, 1]} : vector<512x8192xf32> to vector<512x128xf32>
    %sub3A_610 = arith.subf %add3A_608, %slice3A_609 : vector<512x128xf32>
    %lt3A_611 = arith.cmpf olt, %sub3A_610, %select_n3A_601 : vector<512x128xf32>
    %select_n3A_612 = arith.select %lt3A_611, %sub3A_610, %select_n3A_601 : vector<512x128xi1>, vector<512x128xf32>
    %jit3A_613 = arith.constant 2.200000e+01 : f32
    %broadcast_in_dim3A_614 = vector.broadcast %jit3A_613 : f32 to vector<512x128xf32>
    %select_n3A_615 = arith.select %lt3A_611, %broadcast_in_dim3A_614, %select_n3A_604 : vector<512x128xi1>, vector<512x128xf32>
    %slice3A_616 = vector.extract_strided_slice %get3A_11 {offsets = [0, 7040], sizes = [1, 128], strides = [1, 1]} : vector<1x8192xf32> to vector<1x128xf32>
    %add3A_617 = vector.broadcast %reshape3A : vector<512x1xf32> to vector<512x128xf32>
    %add3A_618 = vector.broadcast %slice3A_616 : vector<1x128xf32> to vector<512x128xf32>
    %add3A_619 = arith.addf %add3A_617, %add3A_618 : vector<512x128xf32>
    %slice3A_620 = vector.extract_strided_slice %dot_general3A_5 {offsets = [0, 7040], sizes = [512, 128], strides = [1, 1]} : vector<512x8192xf32> to vector<512x128xf32>
    %sub3A_621 = arith.subf %add3A_619, %slice3A_620 : vector<512x128xf32>
    %lt3A_622 = arith.cmpf olt, %sub3A_621, %select_n3A_612 : vector<512x128xf32>
    %select_n3A_623 = arith.select %lt3A_622, %sub3A_621, %select_n3A_612 : vector<512x128xi1>, vector<512x128xf32>
    %jit3A_624 = arith.constant 2.300000e+01 : f32
    %broadcast_in_dim3A_625 = vector.broadcast %jit3A_624 : f32 to vector<512x128xf32>
    %select_n3A_626 = arith.select %lt3A_622, %broadcast_in_dim3A_625, %select_n3A_615 : vector<512x128xi1>, vector<512x128xf32>
    %slice3A_627 = vector.extract_strided_slice %get3A_11 {offsets = [0, 7168], sizes = [1, 128], strides = [1, 1]} : vector<1x8192xf32> to vector<1x128xf32>
    %add3A_628 = vector.broadcast %reshape3A : vector<512x1xf32> to vector<512x128xf32>
    %add3A_629 = vector.broadcast %slice3A_627 : vector<1x128xf32> to vector<512x128xf32>
    %add3A_630 = arith.addf %add3A_628, %add3A_629 : vector<512x128xf32>
    %slice3A_631 = vector.extract_strided_slice %dot_general3A_5 {offsets = [0, 7168], sizes = [512, 128], strides = [1, 1]} : vector<512x8192xf32> to vector<512x128xf32>
    %sub3A_632 = arith.subf %add3A_630, %slice3A_631 : vector<512x128xf32>
    %lt3A_633 = arith.cmpf olt, %sub3A_632, %select_n3A_623 : vector<512x128xf32>
    %select_n3A_634 = arith.select %lt3A_633, %sub3A_632, %select_n3A_623 : vector<512x128xi1>, vector<512x128xf32>
    %jit3A_635 = arith.constant 2.400000e+01 : f32
    %broadcast_in_dim3A_636 = vector.broadcast %jit3A_635 : f32 to vector<512x128xf32>
    %select_n3A_637 = arith.select %lt3A_633, %broadcast_in_dim3A_636, %select_n3A_626 : vector<512x128xi1>, vector<512x128xf32>
    %slice3A_638 = vector.extract_strided_slice %get3A_11 {offsets = [0, 7296], sizes = [1, 128], strides = [1, 1]} : vector<1x8192xf32> to vector<1x128xf32>
    %add3A_639 = vector.broadcast %reshape3A : vector<512x1xf32> to vector<512x128xf32>
    %add3A_640 = vector.broadcast %slice3A_638 : vector<1x128xf32> to vector<512x128xf32>
    %add3A_641 = arith.addf %add3A_639, %add3A_640 : vector<512x128xf32>
    %slice3A_642 = vector.extract_strided_slice %dot_general3A_5 {offsets = [0, 7296], sizes = [512, 128], strides = [1, 1]} : vector<512x8192xf32> to vector<512x128xf32>
    %sub3A_643 = arith.subf %add3A_641, %slice3A_642 : vector<512x128xf32>
    %lt3A_644 = arith.cmpf olt, %sub3A_643, %select_n3A_634 : vector<512x128xf32>
    %select_n3A_645 = arith.select %lt3A_644, %sub3A_643, %select_n3A_634 : vector<512x128xi1>, vector<512x128xf32>
    %jit3A_646 = arith.constant 2.500000e+01 : f32
    %broadcast_in_dim3A_647 = vector.broadcast %jit3A_646 : f32 to vector<512x128xf32>
    %select_n3A_648 = arith.select %lt3A_644, %broadcast_in_dim3A_647, %select_n3A_637 : vector<512x128xi1>, vector<512x128xf32>
    %slice3A_649 = vector.extract_strided_slice %get3A_11 {offsets = [0, 7424], sizes = [1, 128], strides = [1, 1]} : vector<1x8192xf32> to vector<1x128xf32>
    %add3A_650 = vector.broadcast %reshape3A : vector<512x1xf32> to vector<512x128xf32>
    %add3A_651 = vector.broadcast %slice3A_649 : vector<1x128xf32> to vector<512x128xf32>
    %add3A_652 = arith.addf %add3A_650, %add3A_651 : vector<512x128xf32>
    %slice3A_653 = vector.extract_strided_slice %dot_general3A_5 {offsets = [0, 7424], sizes = [512, 128], strides = [1, 1]} : vector<512x8192xf32> to vector<512x128xf32>
    %sub3A_654 = arith.subf %add3A_652, %slice3A_653 : vector<512x128xf32>
    %lt3A_655 = arith.cmpf olt, %sub3A_654, %select_n3A_645 : vector<512x128xf32>
    %select_n3A_656 = arith.select %lt3A_655, %sub3A_654, %select_n3A_645 : vector<512x128xi1>, vector<512x128xf32>
    %jit3A_657 = arith.constant 2.600000e+01 : f32
    %broadcast_in_dim3A_658 = vector.broadcast %jit3A_657 : f32 to vector<512x128xf32>
    %select_n3A_659 = arith.select %lt3A_655, %broadcast_in_dim3A_658, %select_n3A_648 : vector<512x128xi1>, vector<512x128xf32>
    %slice3A_660 = vector.extract_strided_slice %get3A_11 {offsets = [0, 7552], sizes = [1, 128], strides = [1, 1]} : vector<1x8192xf32> to vector<1x128xf32>
    %add3A_661 = vector.broadcast %reshape3A : vector<512x1xf32> to vector<512x128xf32>
    %add3A_662 = vector.broadcast %slice3A_660 : vector<1x128xf32> to vector<512x128xf32>
    %add3A_663 = arith.addf %add3A_661, %add3A_662 : vector<512x128xf32>
    %slice3A_664 = vector.extract_strided_slice %dot_general3A_5 {offsets = [0, 7552], sizes = [512, 128], strides = [1, 1]} : vector<512x8192xf32> to vector<512x128xf32>
    %sub3A_665 = arith.subf %add3A_663, %slice3A_664 : vector<512x128xf32>
    %lt3A_666 = arith.cmpf olt, %sub3A_665, %select_n3A_656 : vector<512x128xf32>
    %select_n3A_667 = arith.select %lt3A_666, %sub3A_665, %select_n3A_656 : vector<512x128xi1>, vector<512x128xf32>
    %jit3A_668 = arith.constant 2.700000e+01 : f32
    %broadcast_in_dim3A_669 = vector.broadcast %jit3A_668 : f32 to vector<512x128xf32>
    %select_n3A_670 = arith.select %lt3A_666, %broadcast_in_dim3A_669, %select_n3A_659 : vector<512x128xi1>, vector<512x128xf32>
    %slice3A_671 = vector.extract_strided_slice %get3A_11 {offsets = [0, 7680], sizes = [1, 128], strides = [1, 1]} : vector<1x8192xf32> to vector<1x128xf32>
    %add3A_672 = vector.broadcast %reshape3A : vector<512x1xf32> to vector<512x128xf32>
    %add3A_673 = vector.broadcast %slice3A_671 : vector<1x128xf32> to vector<512x128xf32>
    %add3A_674 = arith.addf %add3A_672, %add3A_673 : vector<512x128xf32>
    %slice3A_675 = vector.extract_strided_slice %dot_general3A_5 {offsets = [0, 7680], sizes = [512, 128], strides = [1, 1]} : vector<512x8192xf32> to vector<512x128xf32>
    %sub3A_676 = arith.subf %add3A_674, %slice3A_675 : vector<512x128xf32>
    %lt3A_677 = arith.cmpf olt, %sub3A_676, %select_n3A_667 : vector<512x128xf32>
    %select_n3A_678 = arith.select %lt3A_677, %sub3A_676, %select_n3A_667 : vector<512x128xi1>, vector<512x128xf32>
    %jit3A_679 = arith.constant 2.800000e+01 : f32
    %broadcast_in_dim3A_680 = vector.broadcast %jit3A_679 : f32 to vector<512x128xf32>
    %select_n3A_681 = arith.select %lt3A_677, %broadcast_in_dim3A_680, %select_n3A_670 : vector<512x128xi1>, vector<512x128xf32>
    %slice3A_682 = vector.extract_strided_slice %get3A_11 {offsets = [0, 7808], sizes = [1, 128], strides = [1, 1]} : vector<1x8192xf32> to vector<1x128xf32>
    %add3A_683 = vector.broadcast %reshape3A : vector<512x1xf32> to vector<512x128xf32>
    %add3A_684 = vector.broadcast %slice3A_682 : vector<1x128xf32> to vector<512x128xf32>
    %add3A_685 = arith.addf %add3A_683, %add3A_684 : vector<512x128xf32>
    %slice3A_686 = vector.extract_strided_slice %dot_general3A_5 {offsets = [0, 7808], sizes = [512, 128], strides = [1, 1]} : vector<512x8192xf32> to vector<512x128xf32>
    %sub3A_687 = arith.subf %add3A_685, %slice3A_686 : vector<512x128xf32>
    %lt3A_688 = arith.cmpf olt, %sub3A_687, %select_n3A_678 : vector<512x128xf32>
    %select_n3A_689 = arith.select %lt3A_688, %sub3A_687, %select_n3A_678 : vector<512x128xi1>, vector<512x128xf32>
    %jit3A_690 = arith.constant 2.900000e+01 : f32
    %broadcast_in_dim3A_691 = vector.broadcast %jit3A_690 : f32 to vector<512x128xf32>
    %select_n3A_692 = arith.select %lt3A_688, %broadcast_in_dim3A_691, %select_n3A_681 : vector<512x128xi1>, vector<512x128xf32>
    %slice3A_693 = vector.extract_strided_slice %get3A_11 {offsets = [0, 7936], sizes = [1, 128], strides = [1, 1]} : vector<1x8192xf32> to vector<1x128xf32>
    %add3A_694 = vector.broadcast %reshape3A : vector<512x1xf32> to vector<512x128xf32>
    %add3A_695 = vector.broadcast %slice3A_693 : vector<1x128xf32> to vector<512x128xf32>
    %add3A_696 = arith.addf %add3A_694, %add3A_695 : vector<512x128xf32>
    %slice3A_697 = vector.extract_strided_slice %dot_general3A_5 {offsets = [0, 7936], sizes = [512, 128], strides = [1, 1]} : vector<512x8192xf32> to vector<512x128xf32>
    %sub3A_698 = arith.subf %add3A_696, %slice3A_697 : vector<512x128xf32>
    %lt3A_699 = arith.cmpf olt, %sub3A_698, %select_n3A_689 : vector<512x128xf32>
    %select_n3A_700 = arith.select %lt3A_699, %sub3A_698, %select_n3A_689 : vector<512x128xi1>, vector<512x128xf32>
    %jit3A_701 = arith.constant 3.000000e+01 : f32
    %broadcast_in_dim3A_702 = vector.broadcast %jit3A_701 : f32 to vector<512x128xf32>
    %select_n3A_703 = arith.select %lt3A_699, %broadcast_in_dim3A_702, %select_n3A_692 : vector<512x128xi1>, vector<512x128xf32>
    %slice3A_704 = vector.extract_strided_slice %get3A_11 {offsets = [0, 8064], sizes = [1, 128], strides = [1, 1]} : vector<1x8192xf32> to vector<1x128xf32>
    %add3A_705 = vector.broadcast %reshape3A : vector<512x1xf32> to vector<512x128xf32>
    %add3A_706 = vector.broadcast %slice3A_704 : vector<1x128xf32> to vector<512x128xf32>
    %add3A_707 = arith.addf %add3A_705, %add3A_706 : vector<512x128xf32>
    %slice3A_708 = vector.extract_strided_slice %dot_general3A_5 {offsets = [0, 8064], sizes = [512, 128], strides = [1, 1]} : vector<512x8192xf32> to vector<512x128xf32>
    %sub3A_709 = arith.subf %add3A_707, %slice3A_708 : vector<512x128xf32>
    %lt3A_710 = arith.cmpf olt, %sub3A_709, %select_n3A_700 : vector<512x128xf32>
    %select_n3A_711 = arith.select %lt3A_710, %sub3A_709, %select_n3A_700 : vector<512x128xi1>, vector<512x128xf32>
    %jit3A_712 = arith.constant 3.100000e+01 : f32
    %broadcast_in_dim3A_713 = vector.broadcast %jit3A_712 : f32 to vector<512x128xf32>
    %select_n3A_714 = arith.select %lt3A_710, %broadcast_in_dim3A_713, %select_n3A_703 : vector<512x128xi1>, vector<512x128xf32>
    %mul3A_715 = arith.constant 1.280000e+02 : f32
    %mul3A_716 = vector.broadcast %mul3A_715 : f32 to vector<512x128xf32>
    %mul3A_717 = arith.mulf %select_n3A_714, %mul3A_716 : vector<512x128xf32>
    %add3A_718 = arith.addf %mul3A_717, %convert_element_type3A : vector<512x128xf32>
    %reduce_min3A_719 = arith.constant dense<0x7F800000> : vector<512xf32>
    %reduce_min3A_720 = vector.multi_reduction <minimumf>, %select_n3A_711, %reduce_min3A_719 [1] : vector<512x128xf32> to vector<512xf32>
    %broadcast_in_dim3A_721 = vector.shape_cast %reduce_min3A_720 : vector<512xf32> to vector<512x1xf32>
    %eq3A_722 = vector.broadcast %broadcast_in_dim3A_721 : vector<512x1xf32> to vector<512x128xf32>
    %eq3A_723 = arith.cmpf oeq, %select_n3A_711, %eq3A_722 : vector<512x128xf32>
    %jit3A_724 = arith.constant 4.096000e+03 : f32
    %broadcast_in_dim3A_725 = vector.broadcast %jit3A_724 : f32 to vector<512x128xf32>
    %select_n3A_726 = arith.select %eq3A_723, %add3A_718, %broadcast_in_dim3A_725 : vector<512x128xi1>, vector<512x128xf32>
    %reduce_min3A_727 = arith.constant dense<0x7F800000> : vector<512xf32>
    %reduce_min3A_728 = vector.multi_reduction <minimumf>, %select_n3A_726, %reduce_min3A_727 [1] : vector<512x128xf32> to vector<512xf32>
    %squeeze3A_729 = vector.shape_cast %broadcast_in_dim3A_721 : vector<512x1xf32> to vector<512xf32>
    %convert_element_type3A_730 = arith.truncf %squeeze3A : vector<512xf32> to vector<512xbf16>
    %convert_element_type3A_731 = arith.extf %convert_element_type3A_730 : vector<512xbf16> to vector<512xf32>
    %lt3A_732 = arith.cmpf olt, %squeeze3A_729, %convert_element_type3A_731 : vector<512xf32>
    %add3A_733 = arith.constant 4.096000e+03 : f32
    %add3A_734 = vector.broadcast %add3A_733 : f32 to vector<512xf32>
    %add3A_735 = arith.addf %reduce_min3A_728, %add3A_734 : vector<512xf32>
    %select_n3A_736 = arith.select %lt3A_732, %add3A_735, %reduce_min3A_365 : vector<512xi1>, vector<512xf32>
    %convert_element_type3A_737 = arith.fptosi %select_n3A_736 : vector<512xf32> to vector<512xi32>
    %reshape3A_738 = vector.shape_cast %convert_element_type3A_737 : vector<512xi32> to vector<1x1x512xi32>
    %swap3A = arith.constant 0 : index
    %swap3A_739 = arith.constant 0 : index
    %swap3A_740 = arith.constant 0 : index
    %swap3A_741 = vector.load %arg5[%swap3A, %swap3A_739, %swap3A_740] : memref<1x1x512xi32, #tpu.memory_space<vmem>>, vector<1x1x512xi32>
    tpu.vector_store %arg5[%swap3A, %swap3A_739, %swap3A_740], %reshape3A_738 {strides = array<i32>} : memref<1x1x512xi32, #tpu.memory_space<vmem>>, vector<1x1x512xi32>,
    return
  }
  func.func @transform_0(%arg0: i32) -> (i32, i32) {
    %c0_i32 = arith.constant 0 : i32
    %c0_i32_0 = arith.constant 0 : i32
    return %arg0, %c0_i32 : i32, i32
  }
  func.func @transform_1(%arg0: i32) -> (i32, i32) {
    %c0_i32 = arith.constant 0 : i32
    %c0_i32_0 = arith.constant 0 : i32
    %c0_i32_1 = arith.constant 0 : i32
    return %c0_i32, %c0_i32_0 : i32, i32
  }
  func.func @transform_2(%arg0: i32) -> (i32, i32) {
    %c0_i32 = arith.constant 0 : i32
    %c0_i32_0 = arith.constant 0 : i32
    %c0_i32_1 = arith.constant 0 : i32
    return %c0_i32, %c0_i32_0 : i32, i32
  }
  func.func @transform_3(%arg0: i32) -> (i32, i32) {
    %c0_i32 = arith.constant 0 : i32
    %c0_i32_0 = arith.constant 0 : i32
    return %c0_i32, %arg0 : i32, i32
  }
  func.func @transform_4(%arg0: i32) -> (i32, i32, i32) {
    %c0_i32 = arith.constant 0 : i32
    %c0_i32_0 = arith.constant 0 : i32
    %c0_i32_1 = arith.constant 0 : i32
    return %arg0, %c0_i32, %c0_i32_0 : i32, i32, i32
  }
}

module attributes {stable_mosaic.version = 14 : i64} {
  func.func @_finalize_body(%arg0: i32, %arg1: memref<2048x32xf32, #tpu.memory_space<vmem>>, %arg2: memref<2048x128xf32, #tpu.memory_space<vmem>>, %arg3: memref<2048x32xf32, #tpu.memory_space<vmem>>, %arg4: memref<1x1xf32, #tpu.memory_space<vmem>>) attributes {dimension_semantics = [#tpu.dimension_semantics<arbitrary>], iteration_bounds = array<i64: 8>, scalar_prefetch = 0 : i64, scratch_operands = 0 : i64, tpu.core_type = #tpu.core_type<tc>, window_params = [{transform_indices = @transform_0, window_bounds = array<i64: 2048, 32>}, {transform_indices = @transform_1, window_bounds = array<i64: 2048, 128>}, {transform_indices = @transform_2, window_bounds = array<i64: 2048, 32>}, {pipeline_mode = #tpu.pipeline_mode<synchronous>, transform_indices = @transform_3, window_bounds = array<i64: 1, 1>}]} {
    %get3A = arith.constant 0 : index
    %get3A_0 = arith.constant 0 : index
    %get3A_1 = vector.load %arg1[%get3A, %get3A_0] : memref<2048x32xf32, #tpu.memory_space<vmem>>, vector<2048x32xf32>
    %get3A_2 = arith.constant 0 : index
    %get3A_3 = arith.constant 0 : index
    %get3A_4 = vector.load %arg2[%get3A_2, %get3A_3] : memref<2048x128xf32, #tpu.memory_space<vmem>>, vector<2048x32xf32>
    %sub3A = arith.subf %get3A_4, %get3A_1 : vector<2048x32xf32>
    %add3A = arith.addf %get3A_1, %sub3A : vector<2048x32xf32>
    %swap3A = arith.constant 0 : index
    %swap3A_5 = arith.constant 0 : index
    %swap3A_6 = vector.load %arg3[%swap3A, %swap3A_5] : memref<2048x32xf32, #tpu.memory_space<vmem>>, vector<2048x32xf32>
    tpu.vector_store %arg3[%swap3A, %swap3A_5], %add3A {strides = array<i32>} : memref<2048x32xf32, #tpu.memory_space<vmem>>, vector<2048x32xf32>,
    %eq3A = arith.constant 0 : i32
    %eq3A_7 = arith.cmpi eq, %arg0, %eq3A : i32
    %convert_element_type3A = arith.extui %eq3A_7 : i1 to i32
    %cond3A = arith.constant 0 : i32
    %cond3A_8 = arith.cmpi ne, %convert_element_type3A, %cond3A : i32
    scf.if %cond3A_8 {
      %broadcast_in_dim3A = arith.constant 0.000000e+00 : f32
      %broadcast_in_dim3A_20 = vector.broadcast %broadcast_in_dim3A : f32 to vector<1x1xf32>
      %swap3A_21 = arith.constant 0 : index
      %swap3A_22 = arith.constant 0 : index
      %swap3A_23 = vector.load %arg4[%swap3A_21, %swap3A_22] : memref<1x1xf32, #tpu.memory_space<vmem>>, vector<1x1xf32>
      tpu.vector_store %arg4[%swap3A_21, %swap3A_22], %broadcast_in_dim3A_20 {strides = array<i32>} : memref<1x1xf32, #tpu.memory_space<vmem>>, vector<1x1xf32>,
    } else {
    }
    %get3A_9 = arith.constant 0 : index
    %get3A_10 = arith.constant 0 : index
    %get3A_11 = vector.load %arg4[%get3A_9, %get3A_10] : memref<1x1xf32, #tpu.memory_space<vmem>>, vector<1x1xf32>
    %mul3A = arith.mulf %sub3A, %sub3A : vector<2048x32xf32>
    %reduce_sum3A = vector.shape_cast %mul3A : vector<2048x32xf32> to vector<1x2048x32xf32>
    %reduce_sum3A_12 = arith.constant dense<0.000000e+00> : vector<1xf32>
    %reduce_sum3A_13 = vector.multi_reduction <add>, %reduce_sum3A, %reduce_sum3A_12 [1, 2] : vector<1x2048x32xf32> to vector<1xf32>
    %reduce_sum3A_14 = vector.shape_cast %reduce_sum3A_13 : vector<1xf32> to vector<1x1x1xf32>
    %reduce_sum3A_15 = vector.extract %reduce_sum3A_14[0, 0, 0] : f32 from vector<1x1x1xf32>
    %reshape3A = vector.broadcast %reduce_sum3A_15 : f32 to vector<1x1xf32>
    %add3A_16 = arith.addf %get3A_11, %reshape3A : vector<1x1xf32>
    %swap3A_17 = arith.constant 0 : index
    %swap3A_18 = arith.constant 0 : index
    %swap3A_19 = vector.load %arg4[%swap3A_17, %swap3A_18] : memref<1x1xf32, #tpu.memory_space<vmem>>, vector<1x1xf32>
    tpu.vector_store %arg4[%swap3A_17, %swap3A_18], %add3A_16 {strides = array<i32>} : memref<1x1xf32, #tpu.memory_space<vmem>>, vector<1x1xf32>,
    return
  }
  func.func @transform_0(%arg0: i32) -> (i32, i32) {
    %c0_i32 = arith.constant 0 : i32
    %c0_i32_0 = arith.constant 0 : i32
    return %arg0, %c0_i32 : i32, i32
  }
  func.func @transform_1(%arg0: i32) -> (i32, i32) {
    %c0_i32 = arith.constant 0 : i32
    %c0_i32_0 = arith.constant 0 : i32
    return %arg0, %c0_i32 : i32, i32
  }
  func.func @transform_2(%arg0: i32) -> (i32, i32) {
    %c0_i32 = arith.constant 0 : i32
    %c0_i32_0 = arith.constant 0 : i32
    return %arg0, %c0_i32 : i32, i32
  }
  func.func @transform_3(%arg0: i32) -> (i32, i32) {
    %c0_i32 = arith.constant 0 : i32
    %c0_i32_0 = arith.constant 0 : i32
    %c0_i32_1 = arith.constant 0 : i32
    return %c0_i32, %c0_i32_0 : i32, i32
  }
}

</mosaic_0001>

<sc_bundles>
// kernel: kernel.5.cloned.1.call-start
scs
__scs_entry_jumppad:
0x0: {  	(pc) =	sbr.rel $0x88, $3  }
0x1: {  	(tag) =	ssettag $0x0;
	lr =	simm.s32 $0x1  }
0x2: {  	[smem:$0x3F9F] =	sst lr;
	_ =	strace $0xD0000000  }
0x3: {  	_ = 	snop  }
0x4: {  	_ = 	snop  }
0x5: {  	_ = 	snop  }
0x6: {  	_ = 	snop  }
0x7: {  	_ = 	snop  }
__scs_overlays_trampoline_lowered:
0x8: {  	[smem:$0x3FAE] =	sst s0  }
0x9: {  	[smem:$0x3FAF] =	sst s1  }
0xa: {  	[smem:$0x3FB0] =	sst s2  }
0xb: {  	[smem:$0x3FB1] =	sst s3  }
0xc: {  	[smem:$0x3FB2] =	sst s4  }
0xd: {  	[smem:$0x3FB3] =	sst s5  }
0xe: {  	[smem:$0x3FB4] =	sst s6  }
0xf: {  	[smem:$0x3FB5] =	sst s7  }
0x10: {  	[smem:$0x3FB6] =	sst s8  }
0x11: {  	[smem:$0x3FB7] =	sst s9;
	s0 =	simm.s32 @!p0 $0x0  }
0x12: {  	s1 =	sld [smem:$0x3F9D];
	s0 =	simm.s32 @p0 $0x1  }
0x13: {  	[smem:$0x3FB8] =	sst s0;
	s0 =	simm.s32 @!p1 $0x0  }
0x14: {  	s2 =	sld [smem:$0x3F9C];
	s0 =	simm.s32 @p1 $0x1  }
0x15: {  	[smem:$0x3FB9] =	sst s0;
	s0 =	simm.s32 @!p2 $0x0  }
0x16: {  	s3 =	sld [smem:$0x3FDB];
	s0 =	simm.s32 @p2 $0x1  }
0x17: {  	s4 =	simm.s32 $0x1BF5;
	[smem:$0x3FBB] =	sst s0  }
0x18: {  	s0 =	sld [smem:$0x3F9E];
	_ =	swait.ge [sflag:s4], $0x0  }
0x19: {  	s7 =	sld [smem:$0x3F9F]  }
0x1a: {  	s8 =	sadd.s32 $0xFFFFE003, lr  }
0x1b: {  	s9 =	sadd.s32 $0xFFFFFEF7, lr;
	s5 =	simm.s32 $0xFFFFFFFF;
	p2 =	slt.u32 s8, $0xFFFFF086  }
0x1c: {  	p1 =	slt.u32 s9, $0xF7A;
	s5 =	simm.s32 @!p2 $0x0  }
0x1d: {  	s5 =	simm.s32 @p1 $0x1;
	p0 =	seq.s32 s7, s2  }
0x1e: {  	s7 =	smul.u32 @!p0 $0xF7A, s2;
	p2 =	seq.s32 @!p0 s5, $0x0  }
0x1f: {  	s9 =	smul.u32 $0xF7A, s1;
	s8 =	simm.s32 @!p0 $0x1BF5;
	p2 =	por !p2, p0  }
0x20: {  	[sflag:s8] =	ssyncset.s32 @!p0 $0xFFFFF086;
	s6 =	sadd.s32 @!p0 s3, s7;
	s7 =	simm.s32 @!p0 $0x108  }
0x21: {  	s3 =	sadd.s32 s3, s9;
	s6 =	sadd.s32 @!p0 $0x88, s6;
	s7 =	simm.s32 @p2 $0x1082  }
0x22: {  	[simem:s7], [sflag:s8] =	dma.local @!p0 [hbm:s6], $0xF7A  }
0x23: {  	s9 =	sor.u32 $0xD0000000, s2;
	s6 =	simm.s32 $0x108;
	_ =	swait.ge @!p0 [sflag:s8], $0x0  }
0x24: {  	s3 =	sadd.s32 $0x88, s3;
	s6 =	simm.s32 @!p1 $0x1082;
	[sflag:s4] =	ssyncset.s32 $0xFFFFF086  }
0x25: {  	[simem:s6], [sflag:s4] =	dma.local [hbm:s3], $0xF7A  }
0x26: {  	[smem:$0x3F9F] =	sst s1;
	(tag) =	ssettag s2;
	_ =	strace s9  }
0x27: {  	s1 =	sld [smem:$0x3FAF]  }
0x28: {  	s2 =	sld [smem:$0x3FB0]  }
0x29: {  	s4 =	sld [smem:$0x3FB2]  }
0x2a: {  	p0 =	seq.s32 s5, $0x0;
	s5 =	sld [smem:$0x3FB3]  }
0x2b: {  	s6 =	sld [smem:$0x3FB4]  }
0x2c: {  	s7 =	sld [smem:$0x3FB5]  }
0x2d: {  	s3 =	simm.s32 $0x108;
	s8 =	sld [smem:$0x3FB6]  }
0x2e: {  	s3 =	simm.s32 @!p0 $0x1082;
	s9 =	sld [smem:$0x3FB7]  }
0x2f: {  	lr =	sadd.s32 s0, s3;
	s0 =	sld [smem:$0x3FAE]  }
0x30: {  	s3 =	sld [smem:$0x3FB1]  }
0x31: {  	[smem:$0x3FBA] =	sst s10  }
0x32: {  	s10 =	sld [smem:$0x3FB8];
	_ =	sdelay $0x3  }
0x33: {  	p0 =	seq.s32 s10, $0x1;
	s10 =	sld [smem:$0x3FBA];
	_ =	sdelay $0x3  }
0x34: {  	[smem:$0x3FBA] =	sst s10  }
0x35: {  	s10 =	sld [smem:$0x3FB9];
	_ =	sdelay $0x3  }
0x36: {  	p1 =	seq.s32 s10, $0x1;
	s10 =	sld [smem:$0x3FBA];
	_ =	sdelay $0x3  }
0x37: {  	[smem:$0x3FBA] =	sst s10  }
0x38: {  	s10 =	sld [smem:$0x3FBB]  }
0x39: {  	_ = 	snop;
	(pc) =	sbr.ind lr, $3  }
0x3a: {  	_ = 	snop  }
0x3b: {  	_ = 	snop  }
0x3c: {  	p2 =	seq.s32 s10, $0x1;
	s10 =	sld [smem:$0x3FBA]  }
0x3d: {  	_ =	shalt  }
0x3e: {  	_ =	shalt  }
0x3f: {  	_ =	shalt  }
0x40: {  	_ =	shalt  }
0x41: {  	_ =	shalt  }
0x42: {  	_ =	shalt  }
0x43: {  	_ =	shalt  }
0x44: {  	_ =	shalt  }
0x45: {  	_ =	shalt  }
0x46: {  	_ =	shalt  }
0x47: {  	_ =	shalt  }
0x48: {  	_ =	shalt  }
0x49: {  	_ =	shalt  }
0x4a: {  	_ =	shalt  }
0x4b: {  	_ =	shalt  }
0x4c: {  	_ =	shalt  }
0x4d: {  	_ =	shalt  }
0x4e: {  	_ =	shalt  }
0x4f: {  	_ =	shalt  }
0x50: {  	_ =	shalt  }
0x51: {  	_ =	shalt  }
0x52: {  	_ =	shalt  }
0x53: {  	_ =	shalt  }
0x54: {  	_ =	shalt  }
0x55: {  	_ =	shalt  }
0x56: {  	_ =	shalt  }
0x57: {  	_ =	shalt  }
0x58: {  	_ =	shalt  }
0x59: {  	_ =	shalt  }
0x5a: {  	_ =	shalt  }
0x5b: {  	_ =	shalt  }
0x5c: {  	_ =	shalt  }
0x5d: {  	_ =	shalt  }
0x5e: {  	_ =	shalt  }
0x5f: {  	_ =	shalt  }
0x60: {  	_ =	shalt  }
0x61: {  	_ =	shalt  }
0x62: {  	_ =	shalt  }
0x63: {  	_ =	shalt  }
0x64: {  	_ =	shalt  }
0x65: {  	_ =	shalt  }
0x66: {  	_ =	shalt  }
0x67: {  	_ =	shalt  }
0x68: {  	_ =	shalt  }
0x69: {  	_ =	shalt  }
0x6a: {  	_ =	shalt  }
0x6b: {  	_ =	shalt  }
0x6c: {  	_ =	shalt  }
0x6d: {  	_ =	shalt  }
0x6e: {  	_ =	shalt  }
0x6f: {  	_ =	shalt  }
0x70: {  	_ =	shalt  }
0x71: {  	_ =	shalt  }
0x72: {  	_ =	shalt  }
0x73: {  	_ =	shalt  }
0x74: {  	_ =	shalt  }
0x75: {  	_ =	shalt  }
0x76: {  	_ =	shalt  }
0x77: {  	_ =	shalt  }
0x78: {  	_ =	shalt  }
0x79: {  	_ =	shalt  }
0x7a: {  	_ =	shalt  }
0x7b: {  	_ =	shalt  }
0x7c: {  	_ =	shalt  }
0x7d: {  	_ =	shalt  }
0x7e: {  	_ =	shalt  }
0x7f: {  	_ =	shalt  }
0x80: {  	_ =	shalt  }
0x81: {  	_ =	shalt  }
0x82: {  	_ =	shalt  }
0x83: {  	_ =	shalt  }
0x84: {  	_ =	shalt  }
0x85: {  	_ =	shalt  }
0x86: {  	_ =	shalt  }
0x87: {  	_ =	shalt  }
.Lfunc_end0:
.L_simem_size_0:
called_computation_lowered:
.L_overlay_start_0:
0x88: {  	s2 =	sld [smem:$0x3FD9]  }
0x89: {  	s3 =	sld [smem:$0x3FFE];
	_ =	sdelay $0x1  }
0x8a: {  	s1 =	srdreg.scid  }
0x8b: {  	s0 =	sand.u32 $0x1, s1  }
0x8c: {  	s14 =	sshll.u32 s0, $0xA;
	s2 =	sadd.s32 s3, s2  }
0x8d: {  	s2 =	sadd.s32 s2, s14  }
0x8e: {  	[smem:$0x3FC6] =	sst s2  }
0x8f: {  	_ = 	snop  }
0x90: {  	s2 =	sld [smem:$0x3FD0];
	_ =	sdelay $0x2  }
0x91: {  	s15 =	simm.s32 $0xA;
	s4 =	simm.s32 $0x10  }
0x92: {  	[smem:s4], [sflag:s15] =	dma.local [hbm:s2], $0x1  }
0x93: {  	_ =	swait.eq [sflag:s15], $0x1  }
0x94: {  	[sflag:s15] =	ssyncset.done $0x0  }
0x95: {  	[sflag:s15] =	ssyncadd.s32 $0xFFFFFFFF  }
0x96: {  	s16 =	sld [smem:$0x10];
	(tm) =	ssettm $0x1  }
0x97: {  	s17 =	sld [smem:$0x3FFB];
	_ =	sdelay $0x3  }
0x98: {  	_ =	strace s17  }
0x99: {  	s3 =	sld [smem:$0x3FFC];
	_ =	sdelay $0x3  }
0x9a: {  	_ =	strace s3  }
0x9b: {  	s3 =	sld [smem:$0x3FFD];
	_ =	sdelay $0x3  }
0x9c: {  	_ =	strace s3  }
0x9d: {  	_ =	strace $0x8FFFFFFF  }
0x9e: {  	s18 =	sld [smem:$0x3FDB];
	_ =	sdelay $0x1  }
0x9f: {  	s19 =	simm.s32 $_scs_section_size  }
0xa0: {  	s5 =	simm.s32 $_size__tile_overlayer_lowered;
	s6 =	simm.s32 $_tile_overlayer_lowered  }
0xa1: {  	s22 =	simm.s32 $0x1BFF;
	s21 =	sshll.u32 s6, $0x1;
	s3 =	sadd.s32 s19, s18  }
0xa2: {  	s7 =	simm.s32 $0x0;
	s20 =	sshll.u32 s5, $0x1;
	s5 =	sadd.s32 s21, s3  }
0xa3: {  	[timem:s7], [sflag:s22] =	dma.local [hbm:s5], s20  }
0xa4: {  	_ =	swait.ge [sflag:s22], s20  }
0xa5: {  	s4 =	ssub.s32 $0x0, s20;
	[sflag:s22] =	ssyncset.done $0x0  }
0xa6: {  	[sflag:s22] =	ssyncadd.s32 s4;
	_ =	sdelay $0x1  }
0xa7: {  	s23 =	simm.s32 $0x1B8B  }
0xa8: {  	_ =	swait.ge [sflag:s23], $0x1  }
0xa9: {  	[sflag:s23] =	ssyncset.done $0x0  }
0xaa: {  	s25 =	simm.s32 $0x1B8E;
	s24 =	sld [smem:$0x3FFE];
	[sflag:s23] =	ssyncadd.s32 $0xFFFFFFFF  }
0xab: {  	s26 =	simm.s32 $execute0_lowered;
	[smem:$0x3FD2] =	sst s25  }
0xac: {  	s5 =	sshll.u32 s26, $0x1;
	_ =	strace $0x80000046;
	[dreg:$0x1] =	wrdreg $0xFFFFFFFF  }
0xad: {  	s28 =	simm.s32 $_size_execute0_lowered;
	s3 =	sadd.s32 s3, s5;
	[dreg:$0x0] =	wrdreg $0x0  }
0xae: {  	s5 =	sshll.u32 s28, $0x1;
	[dreg:$0x2] =	wrdreg s3  }
0xaf: {  	[dreg:$0x3] =	wrdreg s5  }
0xb0: {  	[dreg:$0x4] =	wrdreg $0xC0  }
0xb1: {  	_ =	task [dreg:s7], $0x5FFFF  }
0xb2: {  	[dreg:$0x1] =	wrdreg $0xFFFFFFFF  }
0xb3: {  	[dreg:$0x0] =	wrdreg $0x60  }
0xb4: {  	[dreg:$0x2] =	wrdreg s24  }
0xb5: {  	[dreg:$0x3] =	wrdreg s16  }
0xb6: {  	[dreg:$0x4] =	wrdreg $0x9  }
0xb7: {  	_ =	task.clear_ibuf [dreg:s7], $0x5FFFF;
	_ =	strace $0x90000046  }
0xb8: {  	s29 =	simm.s32 $0x9;
	_ =	strace $0x80000048  }
0xb9: {  	_ =	swait.ge [sflag:s29], $0x1  }
0xba: {  	[sflag:s29] =	ssyncadd.s32 $0xFFFFFFFF  }
0xbb: {  	_ =	strace $0x90000048  }
0xbc: {  	_ =	sfence  }
0xbd: {  	s30 =	sld [smem:$0x0];
	_ =	sdelay $0x2  }
0xbe: {  	s31 =	sshll.u32 s1, $0xD;
	s1 =	sshrl.u32 s1, $0x2  }
0xbf: {  	s3 =	sand.u32 $0x4000, s31;
	s1 =	sadd.s32 s1, s30  }
0xc0: {  	s0 =	sor.u32 s3, s0;
	s1 =	sshll.u32 s1, $0x11  }
0xc1: {  	s0 =	sor.u32 s1, s0  }
0xc2: {  	s0 =	sadd.s32 $0x8F2B, s0  }
0xc3: {  	[sflag:s0] =	ssyncadd.remote.s32 $0x1  }
0xc4: {  	_ =	sfence.sel $0xFFFF  }
0xc5: {  	[dreg:$0x0] =	wrdreg $0xFFFFFFFF;
	(pc) =	sbr.abs _section_cstart, $3  }
0xc6: {  	[dreg:$0x1] =	wrdreg $0xFFFFFFFF  }
0xc7: {  	_ =	task.clear_ibuf [dreg:s7], $0x2FFFF;
	_ =	strace $0x9FFFFFFF  }
0xc8: {  	(tm) =	ssettm $0x7FFFFFFF  }
0xc9: {  	_ =	shalt  }
tec
execute0_lowered:
.L_overlay_start_1:
0x0: {  	(tag) =	ssettag $0x1  }
0x1: {  	s1 =	srdreg.scid;
	s2 =	rddreg [dreg:$0x0]  }
0x2: {  	s0 =	stileid.u32;
	s4 =	rddreg [dreg:$0x1];
	s6 =	sand.u32 $0x1, s1  }
0x3: {  	s3 =	simm.s32 $0x0;
	s5 =	sshll.u32 s0, $0xA;
	s7 =	sshll.u32 s6, $0x9  }
0x4: {  	[smem:$0x7FF] =	sst s3;
	s8 =	sor.u32 s7, s5  }
0x5: {  	s1 =	rddreg [dreg:$0x2];
	_ =	strace $0x80000047;
	s5 =	sshrl.u32 s8, $0x3  }
0x6: {  	s9 =	ssub.s32 $0x2, s6;
	s5 =	sadd.s32 s4, s5;
	s4 =	simm.s32 $0x2  }
0x7: {  	[tilespmem:s3], [sflag:$0x2] =	stream.linear.gather [hbm4b:s5+s3], $0x200, $0x38;
	[tilespmem:$0x10200] =	vst v63  }
0x8: {  	s10 =	sshrl.u32 s9, $0x1;
	_ =	swait.ge [sflag:s4], $0x200  }
0x9: {  	s6 =	simm.s32 $0x200;
	s9 =	ssub.s32 s9, s10;
	[sflag:s4] =	ssyncset.done $0x0  }
0xa: {  	s7 =	simm.s32 $0x1;
	s9 =	smax.u32 s9, $0x1;
	[sflag:s4] =	ssyncadd.s32 $0xFFFFFE00  }
0xb: {  	[tilespmem:s6], [sflag:$0x1] =	stream.indirect.gather [hbm4b:s2+s6], $0x80, s3, s6, $0xb8;
	[tilespmem:$0x10200] =	vst v63  }
0xc: {  	s8 =	sshll.u32 s8, $0x4;
	p0 =	sne.s32 s9, $0x1;
	_ =	swait.ge [sflag:s7], $0x10000  }
.Ltmp0:
0xd: {  	s8 =	sadd.s32 s8, s2;
	[sflag:s7] =	ssyncset.done $0x0;
	(pc) =	sbr.rel @!p0 .LBB2_2-.Ltmp0, $4  }
0xe: {  	s8 =	sadd.s32 $0x20000, s8;
	[sflag:s7] =	ssyncadd.s32 $0xFFFF0000  }
0xf: {  	[hbm4b:s8+s3] =	stream.linear.scatter [tilespmem:s6], [sflag:$0x2], $0x10000, $0x38;
	[tilespmem:$0x10200] =	vst v63  }
0x10: {  	_ =	swait.ge [sflag:s4], $0x10000  }
0x11: {  	s9 =	sadd.s32 $0xFFFFFFFF, s9;
	[sflag:s4] =	ssyncset.done $0x0  }
.LBB2_1:
0x12: {  	p0 =	sne.s32 s9, $0x1;
	s9 =	sadd.s32 $0xFFFFFFFF, s9;
	[sflag:s4] =	ssyncadd.s32 $0xFFFF0000  }
0x13: {  	[tilespmem:s3], [sflag:$0x2] =	stream.linear.gather [hbm4b:s5+s3], $0x200, $0x38;
	[tilespmem:$0x10200] =	vst v63  }
0x14: {  	_ =	swait.ge [sflag:s4], $0x200  }
0x15: {  	[sflag:s4] =	ssyncset.done $0x0  }
0x16: {  	[sflag:s4] =	ssyncadd.s32 $0xFFFFFE00  }
0x17: {  	[tilespmem:s6], [sflag:$0x1] =	stream.indirect.gather [hbm4b:s2+s6], $0x80, s3, s6, $0xb8;
	[tilespmem:$0x10200] =	vst v63  }
0x18: {  	_ =	swait.ge [sflag:s7], $0x10000  }
.Ltmp1:
0x19: {  	[sflag:s7] =	ssyncset.done $0x0;
	(pc) =	sbr.rel @p0 .LBB2_1-.Ltmp1, $4  }
0x1a: {  	[sflag:s7] =	ssyncadd.s32 $0xFFFF0000  }
0x1b: {  	[hbm4b:s8+s3] =	stream.linear.scatter [tilespmem:s6], [sflag:$0x2], $0x10000, $0x38;
	[tilespmem:$0x10200] =	vst v63  }
0x1c: {  	_ =	swait.ge [sflag:s4], $0x10000  }
0x1d: {  	[sflag:s4] =	ssyncset.done $0x0  }
.LBB2_2:
0x1e: {  	[sflag:s4] =	ssyncadd.s32 $0xFFFF0000  }
0x1f: {  	_ =	sfence.sel $0x180000  }
0x20: {  	[bflag:$0x0] =	sbarrier.arrive $0xFFFF  }
0x21: {  	p0 =	sne.s32 s0, $0x0;
	_ =	strace $0x90000047  }
0x22: {  	s0 =	sadd.s32 @!p0 $0x100000, s1;
	[bflag:$0x2] =	sbarrier.arrive $0xFFFF  }
0x23: {  	[sflag:s0] =	ssyncadd.tile.s32 @!p0 $0x1;
	_ =	shalt  }
.Lfunc_end2:
_tile_overlayer_lowered:
.L_overlay_start_2:
0x24: {  	(tag) =	ssettag $0x2  }
0x25: {  	s0 =	rddreg [dreg:$0x0];
	s2 =	stileid.u32  }
0x26: {  	s1 =	rddreg [dreg:$0x1];
	p0 =	sne.s32 s2, $0x0  }
0x27: {  	s3 =	rddreg [dreg:$0x2];
	[bflag:$0x3] =	sbarrier.arrive $0xFFFF;
	s2 =	simm.s32 @!p0 $0x1C02  }
0x28: {  	[timem:s3], [sflag:s2] =	dma.local @!p0 [hbm:s0], s1  }
0x29: {  	s0 =	simm.s32 @!p0 $0x2  }
0x2a: {  	_ =	swait.ge @!p0 [sflag:s0], s1  }
0x2b: {  	s1 =	ssub.s32 @!p0 $0x0, s1;
	[sflag:s0] =	ssyncset.done @!p0 $0x0  }
0x2c: {  	[sflag:s0] =	ssyncadd.s32 @!p0 s1  }
0x2d: {  	[bflag:$0x3] =	sbarrier.arrive $0xFFFF  }
0x2e: {  	_ =	shalt  }

</sc_bundles>
